<compile_context>
chip_gen: v7x
topology: tpu7x:2x2x1
jax: 0.10.2.dev20260603
libtpu: 0.0.44.dev20260713+nightly
codegen_flags: <defaults>
</compile_context>

<pallas_src>
import functools

import jax
import jax.numpy as jnp
from jax import lax
from jax.experimental import pallas as pl
from jax.experimental.pallas import tpu as pltpu
from jax.experimental.pallas import tpu_sc as plsc

D_MODEL = 1024
NUM_CORES = 2
NUM_SUBCORES = 16
NW = NUM_CORES * NUM_SUBCORES
CHUNK = 32


@functools.cache
def _make_lookup(rows, cols):
    B = rows * cols
    b_per_w = B // NW
    nchunk = b_per_w // CHUNK
    w_per_row = cols // b_per_w
    mesh = plsc.VectorSubcoreMesh(core_axis_name="c", subcore_axis_name="s")
    nbuf = 3

    @functools.partial(
        pl.kernel,
        mesh=mesh,
        out_type=jax.ShapeDtypeStruct((B, D_MODEL), jnp.float32),
        scratch_types=[
            pltpu.VMEM((b_per_w,), jnp.int32),
            pltpu.VMEM((nbuf, CHUNK, D_MODEL), jnp.float32),
            pltpu.SemaphoreType.DMA,
            pltpu.SemaphoreType.DMA,
        ],
    )
    def lookup(idx_hbm, table_hbm, out_hbm, idx_v, rows_v, gsem, ssem):
        wid = lax.axis_index("s") * NUM_CORES + lax.axis_index("c")
        base = wid * b_per_w
        pltpu.sync_copy(
            idx_hbm.at[wid // w_per_row,
                       pl.ds((wid % w_per_row) * b_per_w, b_per_w)],
            idx_v)
        gathers = [None] * nchunk
        stores = [None] * nchunk
        for b in range(min(nbuf, nchunk)):
            gathers[b] = pltpu.async_copy(
                table_hbm.at[idx_v.at[pl.ds(b * CHUNK, CHUNK)]],
                rows_v.at[b], gsem)
        for j in range(nchunk):
            gathers[j].wait()
            stores[j] = pltpu.async_copy(
                rows_v.at[j % nbuf],
                out_hbm.at[pl.ds(base + j * CHUNK, CHUNK)], ssem)
            g = j + nbuf - 1
            if j >= 1 and g < nchunk:
                stores[j - 1].wait()
                gathers[g] = pltpu.async_copy(
                    table_hbm.at[idx_v.at[pl.ds(g * CHUNK, CHUNK)]],
                    rows_v.at[g % nbuf], gsem)
        for j in range(max(0, nchunk - nbuf), nchunk):
            stores[j].wait()

    return lookup


def kernel(x, table):
    rows, cols = x.shape
    out = _make_lookup(rows, cols)(x.astype(jnp.int32), table)
    return jnp.reshape(out, (rows, cols, D_MODEL))

# --- scband reference (transcript-rebuilt; emitter-appended) ---
"""Pipeline reference for scband-positional-embedding-10522669875540 (READ-ONLY COPY).

The authoritative reference and input builder live on the scoring server;
editing this copy changes nothing except your own understanding.
"""

import jax, jax.numpy as jnp
import numpy as np

MAX_LEN = 8192
D_MODEL = 1024

def setup_inputs(seed: int = 0) -> dict:
    key = jax.random.key(seed)
    k1, k2 = jax.random.split(key)
    x = jax.random.randint(k1, (4, 4096), 0, MAX_LEN, dtype=jnp.int64)
    # learned embedding table, as nn.Embedding would initialize (N(0,1))
    table = jax.random.normal(k2, (MAX_LEN, D_MODEL), dtype=jnp.float32)
    return {"x": x, "table": table}

def reference(x, table):
    # Faithful translation of torch.nn.functional.embedding(x, weight):
    # gather rows of the [max_len, d_model] table by integer indices.
    return jnp.take(table, x, axis=0)

if __name__ == "__main__":
    import jax
    _d = setup_inputs()
    print(jax.jit(kernel)(*tuple(_d.values())))

</pallas_src>

<mosaic_0001>
#map = affine_map<(d0, d1) -> (0, 0)>
module attributes {stable_mosaic.version = 14 : i64} {
  func.func @lookup(%arg0: i32, %arg1: i32, %arg2: memref<4x4096xi32, #tpu.memory_space<hbm>>, %arg3: memref<8192x1024xf32, #tpu.memory_space<hbm>>, %arg4: memref<16384x1024xf32, #tpu.memory_space<hbm>>, %arg5: memref<512xi32, #tpu.memory_space<vmem>>, %arg6: memref<3x32x1024xf32, #tpu.memory_space<vmem>>, %arg7: memref<!tpu.dma_semaphore, #tpu.memory_space<semaphore_mem>>, %arg8: memref<!tpu.dma_semaphore, #tpu.memory_space<semaphore_mem>>) attributes {dimension_semantics = [#tpu.dimension_semantics<core_parallel>, #tpu.dimension_semantics<subcore_parallel>], iteration_bounds = array<i64: 2, 16>, scalar_prefetch = 0 : i64, scratch_operands = 4 : i64, tpu.core_type = #tpu.core_type<sc_vector_subcore>, window_params = [{transform_indices = #map}, {transform_indices = #map}, {transform_indices = #map}]} {
    %mul3A = arith.constant 2 : i32
    %mul3A_0 = arith.muli %arg1, %mul3A : i32
    %add3A = arith.addi %mul3A_0, %arg0 : i32
    %mul3A_1 = arith.constant 512 : i32
    %mul3A_2 = arith.muli %add3A, %mul3A_1 : i32
    %jit3A = arith.constant 8 : i32
    %div3A = arith.divsi %add3A, %jit3A : i32
    %sign3A = arith.constant 0 : i32
    %sign3A_3 = arith.cmpi sgt, %add3A, %sign3A : i32
    %sign3A_4 = arith.extui %sign3A_3 : i1 to i32
    %sign3A_5 = arith.constant 0 : i32
    %sign3A_6 = arith.cmpi slt, %add3A, %sign3A_5 : i32
    %sign3A_7 = arith.extui %sign3A_6 : i1 to i32
    %sign3A_8 = arith.subi %sign3A_4, %sign3A_7 : i32
    %sign3A_9 = arith.constant 0 : i32
    %sign3A_10 = arith.cmpi sgt, %jit3A, %sign3A_9 : i32
    %sign3A_11 = arith.extui %sign3A_10 : i1 to i32
    %sign3A_12 = arith.constant 0 : i32
    %sign3A_13 = arith.cmpi slt, %jit3A, %sign3A_12 : i32
    %sign3A_14 = arith.extui %sign3A_13 : i1 to i32
    %sign3A_15 = arith.subi %sign3A_11, %sign3A_14 : i32
    %ne3A = arith.cmpi ne, %sign3A_8, %sign3A_15 : i32
    %rem3A = arith.remsi %add3A, %jit3A : i32
    %ne3A_16 = arith.constant 0 : i32
    %ne3A_17 = arith.cmpi ne, %rem3A, %ne3A_16 : i32
    %and3A = arith.andi %ne3A, %ne3A_17 : i1
    %sub3A = arith.constant 1 : i32
    %sub3A_18 = arith.subi %div3A, %sub3A : i32
    %select_n3A = arith.select %and3A, %sub3A_18, %div3A : i32
    %jit3A_19 = arith.constant 8 : i32
    %eq3A = arith.constant 0 : i32
    %eq3A_20 = arith.cmpi eq, %jit3A_19, %eq3A : i32
    %jit3A_21 = arith.constant 1 : i32
    %select_n3A_22 = arith.select %eq3A_20, %jit3A_21, %jit3A_19 : i32
    %rem3A_23 = arith.remsi %add3A, %select_n3A_22 : i32
    %ne3A_24 = arith.constant 0 : i32
    %ne3A_25 = arith.cmpi ne, %rem3A_23, %ne3A_24 : i32
    %lt3A = arith.constant 0 : i32
    %lt3A_26 = arith.cmpi slt, %rem3A_23, %lt3A : i32
    %lt3A_27 = arith.constant 0 : i32
    %lt3A_28 = arith.cmpi slt, %select_n3A_22, %lt3A_27 : i32
    %ne3A_29 = arith.xori %lt3A_26, %lt3A_28 : i1
    %and3A_30 = arith.andi %ne3A_29, %ne3A_25 : i1
    %add3A_31 = arith.addi %rem3A_23, %select_n3A_22 : i32
    %select_n3A_32 = arith.select %and3A_30, %add3A_31, %rem3A_23 : i32
    %mul3A_33 = arith.constant 512 : i32
    %mul3A_34 = arith.muli %select_n3A_32, %mul3A_33 : i32
    "tpu.region"() ({
      %run_scoped3A = tpu.sem_alloc : memref<!tpu.dma_semaphore, #tpu.memory_space<semaphore_mem>>
      %dma_start3A_801 = tpu.memref_slice %arg2[%select_n3A, %mul3A_34] : memref<4x4096xi32, #tpu.memory_space<hbm>> -> memref<1x512xi32, #tpu.memory_space<hbm>>
      %dma_start3A_802 = tpu.memref_squeeze %dma_start3A_801 : memref<1x512xi32, #tpu.memory_space<hbm>> -> memref<512xi32, #tpu.memory_space<hbm>>
      %dma_start3A_803 = tpu.memref_slice %arg2[%select_n3A, %mul3A_34] : memref<4x4096xi32, #tpu.memory_space<hbm>> -> memref<1x512xi32, #tpu.memory_space<hbm>>
      %dma_start3A_804 = tpu.memref_squeeze %dma_start3A_803 : memref<1x512xi32, #tpu.memory_space<hbm>> -> memref<512xi32, #tpu.memory_space<hbm>>
      tpu.enqueue_dma source(%dma_start3A_804 : memref<512xi32, #tpu.memory_space<hbm>>) target(%arg5 : memref<512xi32, #tpu.memory_space<vmem>>) target_semaphore(%run_scoped3A : memref<!tpu.dma_semaphore, #tpu.memory_space<semaphore_mem>>)
      %dma_wait3A_805 = tpu.memref_slice %arg2[%select_n3A, %mul3A_34] : memref<4x4096xi32, #tpu.memory_space<hbm>> -> memref<1x512xi32, #tpu.memory_space<hbm>>
      %dma_wait3A_806 = tpu.memref_squeeze %dma_wait3A_805 : memref<1x512xi32, #tpu.memory_space<hbm>> -> memref<512xi32, #tpu.memory_space<hbm>>
      %dma_wait3A_807 = tpu.memref_slice %arg2[%select_n3A, %mul3A_34] : memref<4x4096xi32, #tpu.memory_space<hbm>> -> memref<1x512xi32, #tpu.memory_space<hbm>>
      %dma_wait3A_808 = tpu.memref_squeeze %dma_wait3A_807 : memref<1x512xi32, #tpu.memory_space<hbm>> -> memref<512xi32, #tpu.memory_space<hbm>>
      tpu.wait_dma2 semaphore(%run_scoped3A : memref<!tpu.dma_semaphore, #tpu.memory_space<semaphore_mem>>) src(%dma_wait3A_808 : memref<512xi32, #tpu.memory_space<hbm>>) dst(%arg5 : memref<512xi32, #tpu.memory_space<vmem>>)
      tpu.yield
    }) : () -> ()
    %dma_start3A = arith.constant 0 : i32
    %dma_start3A_35 = arith.constant 0 : i32
    %dma_start3A_36 = arith.constant 0 : i32
    %dma_start3A_37 = tpu.memref_slice %arg6[%dma_start3A, %dma_start3A_35, %dma_start3A_36] : memref<3x32x1024xf32, #tpu.memory_space<vmem>> -> memref<1x32x1024xf32, #tpu.memory_space<vmem>>
    %dma_start3A_38 = tpu.memref_squeeze %dma_start3A_37 : memref<1x32x1024xf32, #tpu.memory_space<vmem>> -> memref<32x1024xf32, #tpu.memory_space<vmem>>
    %dma_start3A_39 = arith.constant 0 : i32
    %dma_start3A_40 = tpu.memref_slice %arg5[%dma_start3A_39] : memref<512xi32, #tpu.memory_space<vmem>> -> memref<32xi32, #tpu.memory_space<vmem>>
    %dma_start3A_41 = arith.constant 0 : i32
    %dma_start3A_42 = arith.constant 0 : i32
    %dma_start3A_43 = tpu.memref_slice %arg3[%dma_start3A_41, %dma_start3A_42] : memref<8192x1024xf32, #tpu.memory_space<hbm>> -> memref<8192x1024xf32, #tpu.memory_space<hbm>>
    tpu.enqueue_indirect_dma source(%dma_start3A_43 : memref<8192x1024xf32, #tpu.memory_space<hbm>>) target(%dma_start3A_38 : memref<32x1024xf32, #tpu.memory_space<vmem>>) offsets(%dma_start3A_40 : memref<32xi32, #tpu.memory_space<vmem>>) semaphore(%arg7 : memref<!tpu.dma_semaphore, #tpu.memory_space<semaphore_mem>>)
    %dma_start3A_44 = arith.constant 1 : i32
    %dma_start3A_45 = arith.constant 0 : i32
    %dma_start3A_46 = arith.constant 0 : i32
    %dma_start3A_47 = tpu.memref_slice %arg6[%dma_start3A_44, %dma_start3A_45, %dma_start3A_46] : memref<3x32x1024xf32, #tpu.memory_space<vmem>> -> memref<1x32x1024xf32, #tpu.memory_space<vmem>>
    %dma_start3A_48 = tpu.memref_squeeze %dma_start3A_47 : memref<1x32x1024xf32, #tpu.memory_space<vmem>> -> memref<32x1024xf32, #tpu.memory_space<vmem>>
    %dma_start3A_49 = arith.constant 32 : i32
    %dma_start3A_50 = tpu.memref_slice %arg5[%dma_start3A_49] : memref<512xi32, #tpu.memory_space<vmem>> -> memref<32xi32, #tpu.memory_space<vmem>>
    %dma_start3A_51 = arith.constant 0 : i32
    %dma_start3A_52 = arith.constant 0 : i32
    %dma_start3A_53 = tpu.memref_slice %arg3[%dma_start3A_51, %dma_start3A_52] : memref<8192x1024xf32, #tpu.memory_space<hbm>> -> memref<8192x1024xf32, #tpu.memory_space<hbm>>
    tpu.enqueue_indirect_dma source(%dma_start3A_53 : memref<8192x1024xf32, #tpu.memory_space<hbm>>) target(%dma_start3A_48 : memref<32x1024xf32, #tpu.memory_space<vmem>>) offsets(%dma_start3A_50 : memref<32xi32, #tpu.memory_space<vmem>>) semaphore(%arg7 : memref<!tpu.dma_semaphore, #tpu.memory_space<semaphore_mem>>)
    %dma_start3A_54 = arith.constant 2 : i32
    %dma_start3A_55 = arith.constant 0 : i32
    %dma_start3A_56 = arith.constant 0 : i32
    %dma_start3A_57 = tpu.memref_slice %arg6[%dma_start3A_54, %dma_start3A_55, %dma_start3A_56] : memref<3x32x1024xf32, #tpu.memory_space<vmem>> -> memref<1x32x1024xf32, #tpu.memory_space<vmem>>
    %dma_start3A_58 = tpu.memref_squeeze %dma_start3A_57 : memref<1x32x1024xf32, #tpu.memory_space<vmem>> -> memref<32x1024xf32, #tpu.memory_space<vmem>>
    %dma_start3A_59 = arith.constant 64 : i32
    %dma_start3A_60 = tpu.memref_slice %arg5[%dma_start3A_59] : memref<512xi32, #tpu.memory_space<vmem>> -> memref<32xi32, #tpu.memory_space<vmem>>
    %dma_start3A_61 = arith.constant 0 : i32
    %dma_start3A_62 = arith.constant 0 : i32
    %dma_start3A_63 = tpu.memref_slice %arg3[%dma_start3A_61, %dma_start3A_62] : memref<8192x1024xf32, #tpu.memory_space<hbm>> -> memref<8192x1024xf32, #tpu.memory_space<hbm>>
    tpu.enqueue_indirect_dma source(%dma_start3A_63 : memref<8192x1024xf32, #tpu.memory_space<hbm>>) target(%dma_start3A_58 : memref<32x1024xf32, #tpu.memory_space<vmem>>) offsets(%dma_start3A_60 : memref<32xi32, #tpu.memory_space<vmem>>) semaphore(%arg7 : memref<!tpu.dma_semaphore, #tpu.memory_space<semaphore_mem>>)
    %dma_wait3A = arith.constant 0 : i32
    %dma_wait3A_64 = arith.constant 0 : i32
    %dma_wait3A_65 = arith.constant 0 : i32
    %dma_wait3A_66 = tpu.memref_slice %arg6[%dma_wait3A, %dma_wait3A_64, %dma_wait3A_65] : memref<3x32x1024xf32, #tpu.memory_space<vmem>> -> memref<1x32x1024xf32, #tpu.memory_space<vmem>>
    %dma_wait3A_67 = tpu.memref_squeeze %dma_wait3A_66 : memref<1x32x1024xf32, #tpu.memory_space<vmem>> -> memref<32x1024xf32, #tpu.memory_space<vmem>>
    %dma_wait3A_68 = arith.constant 0 : i32
    %dma_wait3A_69 = tpu.memref_slice %arg5[%dma_wait3A_68] : memref<512xi32, #tpu.memory_space<vmem>> -> memref<32xi32, #tpu.memory_space<vmem>>
    %dma_wait3A_70 = arith.constant 0 : i32
    %dma_wait3A_71 = arith.constant 0 : i32
    %dma_wait3A_72 = tpu.memref_slice %arg3[%dma_wait3A_70, %dma_wait3A_71] : memref<8192x1024xf32, #tpu.memory_space<hbm>> -> memref<8192x1024xf32, #tpu.memory_space<hbm>>
    tpu.wait_indirect_dma semaphore(%arg7 : memref<!tpu.dma_semaphore, #tpu.memory_space<semaphore_mem>>) src(%dma_wait3A_72 : memref<8192x1024xf32, #tpu.memory_space<hbm>>) dst(%dma_wait3A_67 : memref<32x1024xf32, #tpu.memory_space<vmem>>)
    %add3A_73 = arith.constant 0 : i32
    %add3A_74 = arith.addi %mul3A_2, %add3A_73 : i32
    %dma_start3A_75 = arith.constant 0 : i32
    %dma_start3A_76 = arith.constant 0 : i32
    %dma_start3A_77 = arith.constant 0 : i32
    %dma_start3A_78 = tpu.memref_slice %arg6[%dma_start3A_75, %dma_start3A_76, %dma_start3A_77] : memref<3x32x1024xf32, #tpu.memory_space<vmem>> -> memref<1x32x1024xf32, #tpu.memory_space<vmem>>
    %dma_start3A_79 = tpu.memref_squeeze %dma_start3A_78 : memref<1x32x1024xf32, #tpu.memory_space<vmem>> -> memref<32x1024xf32, #tpu.memory_space<vmem>>
    %dma_start3A_80 = arith.constant 0 : i32
    %dma_start3A_81 = tpu.memref_slice %arg4[%add3A_74, %dma_start3A_80] : memref<16384x1024xf32, #tpu.memory_space<hbm>> -> memref<32x1024xf32, #tpu.memory_space<hbm>>
    %dma_start3A_82 = arith.constant 0 : i32
    %dma_start3A_83 = tpu.memref_slice %arg4[%add3A_74, %dma_start3A_82] : memref<16384x1024xf32, #tpu.memory_space<hbm>> -> memref<32x1024xf32, #tpu.memory_space<hbm>>
    %dma_start3A_84 = arith.constant 0 : i32
    %dma_start3A_85 = arith.constant 0 : i32
    %dma_start3A_86 = tpu.memref_slice %arg6[%dma_start3A_75, %dma_start3A_84, %dma_start3A_85] : memref<3x32x1024xf32, #tpu.memory_space<vmem>> -> memref<1x32x1024xf32, #tpu.memory_space<vmem>>
    %dma_start3A_87 = tpu.memref_squeeze %dma_start3A_86 : memref<1x32x1024xf32, #tpu.memory_space<vmem>> -> memref<32x1024xf32, #tpu.memory_space<vmem>>
    tpu.enqueue_dma source(%dma_start3A_87 : memref<32x1024xf32, #tpu.memory_space<vmem>>) target(%dma_start3A_83 : memref<32x1024xf32, #tpu.memory_space<hbm>>) target_semaphore(%arg8 : memref<!tpu.dma_semaphore, #tpu.memory_space<semaphore_mem>>)
    %dma_wait3A_88 = arith.constant 1 : i32
    %dma_wait3A_89 = arith.constant 0 : i32
    %dma_wait3A_90 = arith.constant 0 : i32
    %dma_wait3A_91 = tpu.memref_slice %arg6[%dma_wait3A_88, %dma_wait3A_89, %dma_wait3A_90] : memref<3x32x1024xf32, #tpu.memory_space<vmem>> -> memref<1x32x1024xf32, #tpu.memory_space<vmem>>
    %dma_wait3A_92 = tpu.memref_squeeze %dma_wait3A_91 : memref<1x32x1024xf32, #tpu.memory_space<vmem>> -> memref<32x1024xf32, #tpu.memory_space<vmem>>
    %dma_wait3A_93 = arith.constant 32 : i32
    %dma_wait3A_94 = tpu.memref_slice %arg5[%dma_wait3A_93] : memref<512xi32, #tpu.memory_space<vmem>> -> memref<32xi32, #tpu.memory_space<vmem>>
    %dma_wait3A_95 = arith.constant 0 : i32
    %dma_wait3A_96 = arith.constant 0 : i32
    %dma_wait3A_97 = tpu.memref_slice %arg3[%dma_wait3A_95, %dma_wait3A_96] : memref<8192x1024xf32, #tpu.memory_space<hbm>> -> memref<8192x1024xf32, #tpu.memory_space<hbm>>
    tpu.wait_indirect_dma semaphore(%arg7 : memref<!tpu.dma_semaphore, #tpu.memory_space<semaphore_mem>>) src(%dma_wait3A_97 : memref<8192x1024xf32, #tpu.memory_space<hbm>>) dst(%dma_wait3A_92 : memref<32x1024xf32, #tpu.memory_space<vmem>>)
    %add3A_98 = arith.constant 32 : i32
    %add3A_99 = arith.addi %mul3A_2, %add3A_98 : i32
    %dma_start3A_100 = arith.constant 1 : i32
    %dma_start3A_101 = arith.constant 0 : i32
    %dma_start3A_102 = arith.constant 0 : i32
    %dma_start3A_103 = tpu.memref_slice %arg6[%dma_start3A_100, %dma_start3A_101, %dma_start3A_102] : memref<3x32x1024xf32, #tpu.memory_space<vmem>> -> memref<1x32x1024xf32, #tpu.memory_space<vmem>>
    %dma_start3A_104 = tpu.memref_squeeze %dma_start3A_103 : memref<1x32x1024xf32, #tpu.memory_space<vmem>> -> memref<32x1024xf32, #tpu.memory_space<vmem>>
    %dma_start3A_105 = arith.constant 0 : i32
    %dma_start3A_106 = tpu.memref_slice %arg4[%add3A_99, %dma_start3A_105] : memref<16384x1024xf32, #tpu.memory_space<hbm>> -> memref<32x1024xf32, #tpu.memory_space<hbm>>
    %dma_start3A_107 = arith.constant 0 : i32
    %dma_start3A_108 = tpu.memref_slice %arg4[%add3A_99, %dma_start3A_107] : memref<16384x1024xf32, #tpu.memory_space<hbm>> -> memref<32x1024xf32, #tpu.memory_space<hbm>>
    %dma_start3A_109 = arith.constant 0 : i32
    %dma_start3A_110 = arith.constant 0 : i32
    %dma_start3A_111 = tpu.memref_slice %arg6[%dma_start3A_100, %dma_start3A_109, %dma_start3A_110] : memref<3x32x1024xf32, #tpu.memory_space<vmem>> -> memref<1x32x1024xf32, #tpu.memory_space<vmem>>
    %dma_start3A_112 = tpu.memref_squeeze %dma_start3A_111 : memref<1x32x1024xf32, #tpu.memory_space<vmem>> -> memref<32x1024xf32, #tpu.memory_space<vmem>>
    tpu.enqueue_dma source(%dma_start3A_112 : memref<32x1024xf32, #tpu.memory_space<vmem>>) target(%dma_start3A_108 : memref<32x1024xf32, #tpu.memory_space<hbm>>) target_semaphore(%arg8 : memref<!tpu.dma_semaphore, #tpu.memory_space<semaphore_mem>>)
    %dma_wait3A_113 = arith.constant 0 : i32
    %dma_wait3A_114 = arith.constant 0 : i32
    %dma_wait3A_115 = arith.constant 0 : i32
    %dma_wait3A_116 = tpu.memref_slice %arg6[%dma_wait3A_113, %dma_wait3A_114, %dma_wait3A_115] : memref<3x32x1024xf32, #tpu.memory_space<vmem>> -> memref<1x32x1024xf32, #tpu.memory_space<vmem>>
    %dma_wait3A_117 = tpu.memref_squeeze %dma_wait3A_116 : memref<1x32x1024xf32, #tpu.memory_space<vmem>> -> memref<32x1024xf32, #tpu.memory_space<vmem>>
    %dma_wait3A_118 = arith.constant 0 : i32
    %dma_wait3A_119 = tpu.memref_slice %arg4[%add3A_74, %dma_wait3A_118] : memref<16384x1024xf32, #tpu.memory_space<hbm>> -> memref<32x1024xf32, #tpu.memory_space<hbm>>
    %dma_wait3A_120 = arith.constant 0 : i32
    %dma_wait3A_121 = tpu.memref_slice %arg4[%add3A_74, %dma_wait3A_120] : memref<16384x1024xf32, #tpu.memory_space<hbm>> -> memref<32x1024xf32, #tpu.memory_space<hbm>>
    %dma_wait3A_122 = arith.constant 0 : i32
    %dma_wait3A_123 = arith.constant 0 : i32
    %dma_wait3A_124 = tpu.memref_slice %arg6[%dma_wait3A_113, %dma_wait3A_122, %dma_wait3A_123] : memref<3x32x1024xf32, #tpu.memory_space<vmem>> -> memref<1x32x1024xf32, #tpu.memory_space<vmem>>
    %dma_wait3A_125 = tpu.memref_squeeze %dma_wait3A_124 : memref<1x32x1024xf32, #tpu.memory_space<vmem>> -> memref<32x1024xf32, #tpu.memory_space<vmem>>
    tpu.wait_dma2 semaphore(%arg8 : memref<!tpu.dma_semaphore, #tpu.memory_space<semaphore_mem>>) src(%dma_wait3A_125 : memref<32x1024xf32, #tpu.memory_space<vmem>>) dst(%dma_wait3A_121 : memref<32x1024xf32, #tpu.memory_space<hbm>>)
    %dma_start3A_126 = arith.constant 0 : i32
    %dma_start3A_127 = arith.constant 0 : i32
    %dma_start3A_128 = arith.constant 0 : i32
    %dma_start3A_129 = tpu.memref_slice %arg6[%dma_start3A_126, %dma_start3A_127, %dma_start3A_128] : memref<3x32x1024xf32, #tpu.memory_space<vmem>> -> memref<1x32x1024xf32, #tpu.memory_space<vmem>>
    %dma_start3A_130 = tpu.memref_squeeze %dma_start3A_129 : memref<1x32x1024xf32, #tpu.memory_space<vmem>> -> memref<32x1024xf32, #tpu.memory_space<vmem>>
    %dma_start3A_131 = arith.constant 96 : i32
    %dma_start3A_132 = tpu.memref_slice %arg5[%dma_start3A_131] : memref<512xi32, #tpu.memory_space<vmem>> -> memref<32xi32, #tpu.memory_space<vmem>>
    %dma_start3A_133 = arith.constant 0 : i32
    %dma_start3A_134 = arith.constant 0 : i32
    %dma_start3A_135 = tpu.memref_slice %arg3[%dma_start3A_133, %dma_start3A_134] : memref<8192x1024xf32, #tpu.memory_space<hbm>> -> memref<8192x1024xf32, #tpu.memory_space<hbm>>
    tpu.enqueue_indirect_dma source(%dma_start3A_135 : memref<8192x1024xf32, #tpu.memory_space<hbm>>) target(%dma_start3A_130 : memref<32x1024xf32, #tpu.memory_space<vmem>>) offsets(%dma_start3A_132 : memref<32xi32, #tpu.memory_space<vmem>>) semaphore(%arg7 : memref<!tpu.dma_semaphore, #tpu.memory_space<semaphore_mem>>)
    %dma_wait3A_136 = arith.constant 2 : i32
    %dma_wait3A_137 = arith.constant 0 : i32
    %dma_wait3A_138 = arith.constant 0 : i32
    %dma_wait3A_139 = tpu.memref_slice %arg6[%dma_wait3A_136, %dma_wait3A_137, %dma_wait3A_138] : memref<3x32x1024xf32, #tpu.memory_space<vmem>> -> memref<1x32x1024xf32, #tpu.memory_space<vmem>>
    %dma_wait3A_140 = tpu.memref_squeeze %dma_wait3A_139 : memref<1x32x1024xf32, #tpu.memory_space<vmem>> -> memref<32x1024xf32, #tpu.memory_space<vmem>>
    %dma_wait3A_141 = arith.constant 64 : i32
    %dma_wait3A_142 = tpu.memref_slice %arg5[%dma_wait3A_141] : memref<512xi32, #tpu.memory_space<vmem>> -> memref<32xi32, #tpu.memory_space<vmem>>
    %dma_wait3A_143 = arith.constant 0 : i32
    %dma_wait3A_144 = arith.constant 0 : i32
    %dma_wait3A_145 = tpu.memref_slice %arg3[%dma_wait3A_143, %dma_wait3A_144] : memref<8192x1024xf32, #tpu.memory_space<hbm>> -> memref<8192x1024xf32, #tpu.memory_space<hbm>>
    tpu.wait_indirect_dma semaphore(%arg7 : memref<!tpu.dma_semaphore, #tpu.memory_space<semaphore_mem>>) src(%dma_wait3A_145 : memref<8192x1024xf32, #tpu.memory_space<hbm>>) dst(%dma_wait3A_140 : memref<32x1024xf32, #tpu.memory_space<vmem>>)
    %add3A_146 = arith.constant 64 : i32
    %add3A_147 = arith.addi %mul3A_2, %add3A_146 : i32
    %dma_start3A_148 = arith.constant 2 : i32
    %dma_start3A_149 = arith.constant 0 : i32
    %dma_start3A_150 = arith.constant 0 : i32
    %dma_start3A_151 = tpu.memref_slice %arg6[%dma_start3A_148, %dma_start3A_149, %dma_start3A_150] : memref<3x32x1024xf32, #tpu.memory_space<vmem>> -> memref<1x32x1024xf32, #tpu.memory_space<vmem>>
    %dma_start3A_152 = tpu.memref_squeeze %dma_start3A_151 : memref<1x32x1024xf32, #tpu.memory_space<vmem>> -> memref<32x1024xf32, #tpu.memory_space<vmem>>
    %dma_start3A_153 = arith.constant 0 : i32
    %dma_start3A_154 = tpu.memref_slice %arg4[%add3A_147, %dma_start3A_153] : memref<16384x1024xf32, #tpu.memory_space<hbm>> -> memref<32x1024xf32, #tpu.memory_space<hbm>>
    %dma_start3A_155 = arith.constant 0 : i32
    %dma_start3A_156 = tpu.memref_slice %arg4[%add3A_147, %dma_start3A_155] : memref<16384x1024xf32, #tpu.memory_space<hbm>> -> memref<32x1024xf32, #tpu.memory_space<hbm>>
    %dma_start3A_157 = arith.constant 0 : i32
    %dma_start3A_158 = arith.constant 0 : i32
    %dma_start3A_159 = tpu.memref_slice %arg6[%dma_start3A_148, %dma_start3A_157, %dma_start3A_158] : memref<3x32x1024xf32, #tpu.memory_space<vmem>> -> memref<1x32x1024xf32, #tpu.memory_space<vmem>>
    %dma_start3A_160 = tpu.memref_squeeze %dma_start3A_159 : memref<1x32x1024xf32, #tpu.memory_space<vmem>> -> memref<32x1024xf32, #tpu.memory_space<vmem>>
    tpu.enqueue_dma source(%dma_start3A_160 : memref<32x1024xf32, #tpu.memory_space<vmem>>) target(%dma_start3A_156 : memref<32x1024xf32, #tpu.memory_space<hbm>>) target_semaphore(%arg8 : memref<!tpu.dma_semaphore, #tpu.memory_space<semaphore_mem>>)
    %dma_wait3A_161 = arith.constant 1 : i32
    %dma_wait3A_162 = arith.constant 0 : i32
    %dma_wait3A_163 = arith.constant 0 : i32
    %dma_wait3A_164 = tpu.memref_slice %arg6[%dma_wait3A_161, %dma_wait3A_162, %dma_wait3A_163] : memref<3x32x1024xf32, #tpu.memory_space<vmem>> -> memref<1x32x1024xf32, #tpu.memory_space<vmem>>
    %dma_wait3A_165 = tpu.memref_squeeze %dma_wait3A_164 : memref<1x32x1024xf32, #tpu.memory_space<vmem>> -> memref<32x1024xf32, #tpu.memory_space<vmem>>
    %dma_wait3A_166 = arith.constant 0 : i32
    %dma_wait3A_167 = tpu.memref_slice %arg4[%add3A_99, %dma_wait3A_166] : memref<16384x1024xf32, #tpu.memory_space<hbm>> -> memref<32x1024xf32, #tpu.memory_space<hbm>>
    %dma_wait3A_168 = arith.constant 0 : i32
    %dma_wait3A_169 = tpu.memref_slice %arg4[%add3A_99, %dma_wait3A_168] : memref<16384x1024xf32, #tpu.memory_space<hbm>> -> memref<32x1024xf32, #tpu.memory_space<hbm>>
    %dma_wait3A_170 = arith.constant 0 : i32
    %dma_wait3A_171 = arith.constant 0 : i32
    %dma_wait3A_172 = tpu.memref_slice %arg6[%dma_wait3A_161, %dma_wait3A_170, %dma_wait3A_171] : memref<3x32x1024xf32, #tpu.memory_space<vmem>> -> memref<1x32x1024xf32, #tpu.memory_space<vmem>>
    %dma_wait3A_173 = tpu.memref_squeeze %dma_wait3A_172 : memref<1x32x1024xf32, #tpu.memory_space<vmem>> -> memref<32x1024xf32, #tpu.memory_space<vmem>>
    tpu.wait_dma2 semaphore(%arg8 : memref<!tpu.dma_semaphore, #tpu.memory_space<semaphore_mem>>) src(%dma_wait3A_173 : memref<32x1024xf32, #tpu.memory_space<vmem>>) dst(%dma_wait3A_169 : memref<32x1024xf32, #tpu.memory_space<hbm>>)
    %dma_start3A_174 = arith.constant 1 : i32
    %dma_start3A_175 = arith.constant 0 : i32
    %dma_start3A_176 = arith.constant 0 : i32
    %dma_start3A_177 = tpu.memref_slice %arg6[%dma_start3A_174, %dma_start3A_175, %dma_start3A_176] : memref<3x32x1024xf32, #tpu.memory_space<vmem>> -> memref<1x32x1024xf32, #tpu.memory_space<vmem>>
    %dma_start3A_178 = tpu.memref_squeeze %dma_start3A_177 : memref<1x32x1024xf32, #tpu.memory_space<vmem>> -> memref<32x1024xf32, #tpu.memory_space<vmem>>
    %dma_start3A_179 = arith.constant 128 : i32
    %dma_start3A_180 = tpu.memref_slice %arg5[%dma_start3A_179] : memref<512xi32, #tpu.memory_space<vmem>> -> memref<32xi32, #tpu.memory_space<vmem>>
    %dma_start3A_181 = arith.constant 0 : i32
    %dma_start3A_182 = arith.constant 0 : i32
    %dma_start3A_183 = tpu.memref_slice %arg3[%dma_start3A_181, %dma_start3A_182] : memref<8192x1024xf32, #tpu.memory_space<hbm>> -> memref<8192x1024xf32, #tpu.memory_space<hbm>>
    tpu.enqueue_indirect_dma source(%dma_start3A_183 : memref<8192x1024xf32, #tpu.memory_space<hbm>>) target(%dma_start3A_178 : memref<32x1024xf32, #tpu.memory_space<vmem>>) offsets(%dma_start3A_180 : memref<32xi32, #tpu.memory_space<vmem>>) semaphore(%arg7 : memref<!tpu.dma_semaphore, #tpu.memory_space<semaphore_mem>>)
    %dma_wait3A_184 = arith.constant 0 : i32
    %dma_wait3A_185 = arith.constant 0 : i32
    %dma_wait3A_186 = arith.constant 0 : i32
    %dma_wait3A_187 = tpu.memref_slice %arg6[%dma_wait3A_184, %dma_wait3A_185, %dma_wait3A_186] : memref<3x32x1024xf32, #tpu.memory_space<vmem>> -> memref<1x32x1024xf32, #tpu.memory_space<vmem>>
    %dma_wait3A_188 = tpu.memref_squeeze %dma_wait3A_187 : memref<1x32x1024xf32, #tpu.memory_space<vmem>> -> memref<32x1024xf32, #tpu.memory_space<vmem>>
    %dma_wait3A_189 = arith.constant 96 : i32
    %dma_wait3A_190 = tpu.memref_slice %arg5[%dma_wait3A_189] : memref<512xi32, #tpu.memory_space<vmem>> -> memref<32xi32, #tpu.memory_space<vmem>>
    %dma_wait3A_191 = arith.constant 0 : i32
    %dma_wait3A_192 = arith.constant 0 : i32
    %dma_wait3A_193 = tpu.memref_slice %arg3[%dma_wait3A_191, %dma_wait3A_192] : memref<8192x1024xf32, #tpu.memory_space<hbm>> -> memref<8192x1024xf32, #tpu.memory_space<hbm>>
    tpu.wait_indirect_dma semaphore(%arg7 : memref<!tpu.dma_semaphore, #tpu.memory_space<semaphore_mem>>) src(%dma_wait3A_193 : memref<8192x1024xf32, #tpu.memory_space<hbm>>) dst(%dma_wait3A_188 : memref<32x1024xf32, #tpu.memory_space<vmem>>)
    %add3A_194 = arith.constant 96 : i32
    %add3A_195 = arith.addi %mul3A_2, %add3A_194 : i32
    %dma_start3A_196 = arith.constant 0 : i32
    %dma_start3A_197 = arith.constant 0 : i32
    %dma_start3A_198 = arith.constant 0 : i32
    %dma_start3A_199 = tpu.memref_slice %arg6[%dma_start3A_196, %dma_start3A_197, %dma_start3A_198] : memref<3x32x1024xf32, #tpu.memory_space<vmem>> -> memref<1x32x1024xf32, #tpu.memory_space<vmem>>
    %dma_start3A_200 = tpu.memref_squeeze %dma_start3A_199 : memref<1x32x1024xf32, #tpu.memory_space<vmem>> -> memref<32x1024xf32, #tpu.memory_space<vmem>>
    %dma_start3A_201 = arith.constant 0 : i32
    %dma_start3A_202 = tpu.memref_slice %arg4[%add3A_195, %dma_start3A_201] : memref<16384x1024xf32, #tpu.memory_space<hbm>> -> memref<32x1024xf32, #tpu.memory_space<hbm>>
    %dma_start3A_203 = arith.constant 0 : i32
    %dma_start3A_204 = tpu.memref_slice %arg4[%add3A_195, %dma_start3A_203] : memref<16384x1024xf32, #tpu.memory_space<hbm>> -> memref<32x1024xf32, #tpu.memory_space<hbm>>
    %dma_start3A_205 = arith.constant 0 : i32
    %dma_start3A_206 = arith.constant 0 : i32
    %dma_start3A_207 = tpu.memref_slice %arg6[%dma_start3A_196, %dma_start3A_205, %dma_start3A_206] : memref<3x32x1024xf32, #tpu.memory_space<vmem>> -> memref<1x32x1024xf32, #tpu.memory_space<vmem>>
    %dma_start3A_208 = tpu.memref_squeeze %dma_start3A_207 : memref<1x32x1024xf32, #tpu.memory_space<vmem>> -> memref<32x1024xf32, #tpu.memory_space<vmem>>
    tpu.enqueue_dma source(%dma_start3A_208 : memref<32x1024xf32, #tpu.memory_space<vmem>>) target(%dma_start3A_204 : memref<32x1024xf32, #tpu.memory_space<hbm>>) target_semaphore(%arg8 : memref<!tpu.dma_semaphore, #tpu.memory_space<semaphore_mem>>)
    %dma_wait3A_209 = arith.constant 2 : i32
    %dma_wait3A_210 = arith.constant 0 : i32
    %dma_wait3A_211 = arith.constant 0 : i32
    %dma_wait3A_212 = tpu.memref_slice %arg6[%dma_wait3A_209, %dma_wait3A_210, %dma_wait3A_211] : memref<3x32x1024xf32, #tpu.memory_space<vmem>> -> memref<1x32x1024xf32, #tpu.memory_space<vmem>>
    %dma_wait3A_213 = tpu.memref_squeeze %dma_wait3A_212 : memref<1x32x1024xf32, #tpu.memory_space<vmem>> -> memref<32x1024xf32, #tpu.memory_space<vmem>>
    %dma_wait3A_214 = arith.constant 0 : i32
    %dma_wait3A_215 = tpu.memref_slice %arg4[%add3A_147, %dma_wait3A_214] : memref<16384x1024xf32, #tpu.memory_space<hbm>> -> memref<32x1024xf32, #tpu.memory_space<hbm>>
    %dma_wait3A_216 = arith.constant 0 : i32
    %dma_wait3A_217 = tpu.memref_slice %arg4[%add3A_147, %dma_wait3A_216] : memref<16384x1024xf32, #tpu.memory_space<hbm>> -> memref<32x1024xf32, #tpu.memory_space<hbm>>
    %dma_wait3A_218 = arith.constant 0 : i32
    %dma_wait3A_219 = arith.constant 0 : i32
    %dma_wait3A_220 = tpu.memref_slice %arg6[%dma_wait3A_209, %dma_wait3A_218, %dma_wait3A_219] : memref<3x32x1024xf32, #tpu.memory_space<vmem>> -> memref<1x32x1024xf32, #tpu.memory_space<vmem>>
    %dma_wait3A_221 = tpu.memref_squeeze %dma_wait3A_220 : memref<1x32x1024xf32, #tpu.memory_space<vmem>> -> memref<32x1024xf32, #tpu.memory_space<vmem>>
    tpu.wait_dma2 semaphore(%arg8 : memref<!tpu.dma_semaphore, #tpu.memory_space<semaphore_mem>>) src(%dma_wait3A_221 : memref<32x1024xf32, #tpu.memory_space<vmem>>) dst(%dma_wait3A_217 : memref<32x1024xf32, #tpu.memory_space<hbm>>)
    %dma_start3A_222 = arith.constant 2 : i32
    %dma_start3A_223 = arith.constant 0 : i32
    %dma_start3A_224 = arith.constant 0 : i32
    %dma_start3A_225 = tpu.memref_slice %arg6[%dma_start3A_222, %dma_start3A_223, %dma_start3A_224] : memref<3x32x1024xf32, #tpu.memory_space<vmem>> -> memref<1x32x1024xf32, #tpu.memory_space<vmem>>
    %dma_start3A_226 = tpu.memref_squeeze %dma_start3A_225 : memref<1x32x1024xf32, #tpu.memory_space<vmem>> -> memref<32x1024xf32, #tpu.memory_space<vmem>>
    %dma_start3A_227 = arith.constant 160 : i32
    %dma_start3A_228 = tpu.memref_slice %arg5[%dma_start3A_227] : memref<512xi32, #tpu.memory_space<vmem>> -> memref<32xi32, #tpu.memory_space<vmem>>
    %dma_start3A_229 = arith.constant 0 : i32
    %dma_start3A_230 = arith.constant 0 : i32
    %dma_start3A_231 = tpu.memref_slice %arg3[%dma_start3A_229, %dma_start3A_230] : memref<8192x1024xf32, #tpu.memory_space<hbm>> -> memref<8192x1024xf32, #tpu.memory_space<hbm>>
    tpu.enqueue_indirect_dma source(%dma_start3A_231 : memref<8192x1024xf32, #tpu.memory_space<hbm>>) target(%dma_start3A_226 : memref<32x1024xf32, #tpu.memory_space<vmem>>) offsets(%dma_start3A_228 : memref<32xi32, #tpu.memory_space<vmem>>) semaphore(%arg7 : memref<!tpu.dma_semaphore, #tpu.memory_space<semaphore_mem>>)
    %dma_wait3A_232 = arith.constant 1 : i32
    %dma_wait3A_233 = arith.constant 0 : i32
    %dma_wait3A_234 = arith.constant 0 : i32
    %dma_wait3A_235 = tpu.memref_slice %arg6[%dma_wait3A_232, %dma_wait3A_233, %dma_wait3A_234] : memref<3x32x1024xf32, #tpu.memory_space<vmem>> -> memref<1x32x1024xf32, #tpu.memory_space<vmem>>
    %dma_wait3A_236 = tpu.memref_squeeze %dma_wait3A_235 : memref<1x32x1024xf32, #tpu.memory_space<vmem>> -> memref<32x1024xf32, #tpu.memory_space<vmem>>
    %dma_wait3A_237 = arith.constant 128 : i32
    %dma_wait3A_238 = tpu.memref_slice %arg5[%dma_wait3A_237] : memref<512xi32, #tpu.memory_space<vmem>> -> memref<32xi32, #tpu.memory_space<vmem>>
    %dma_wait3A_239 = arith.constant 0 : i32
    %dma_wait3A_240 = arith.constant 0 : i32
    %dma_wait3A_241 = tpu.memref_slice %arg3[%dma_wait3A_239, %dma_wait3A_240] : memref<8192x1024xf32, #tpu.memory_space<hbm>> -> memref<8192x1024xf32, #tpu.memory_space<hbm>>
    tpu.wait_indirect_dma semaphore(%arg7 : memref<!tpu.dma_semaphore, #tpu.memory_space<semaphore_mem>>) src(%dma_wait3A_241 : memref<8192x1024xf32, #tpu.memory_space<hbm>>) dst(%dma_wait3A_236 : memref<32x1024xf32, #tpu.memory_space<vmem>>)
    %add3A_242 = arith.constant 128 : i32
    %add3A_243 = arith.addi %mul3A_2, %add3A_242 : i32
    %dma_start3A_244 = arith.constant 1 : i32
    %dma_start3A_245 = arith.constant 0 : i32
    %dma_start3A_246 = arith.constant 0 : i32
    %dma_start3A_247 = tpu.memref_slice %arg6[%dma_start3A_244, %dma_start3A_245, %dma_start3A_246] : memref<3x32x1024xf32, #tpu.memory_space<vmem>> -> memref<1x32x1024xf32, #tpu.memory_space<vmem>>
    %dma_start3A_248 = tpu.memref_squeeze %dma_start3A_247 : memref<1x32x1024xf32, #tpu.memory_space<vmem>> -> memref<32x1024xf32, #tpu.memory_space<vmem>>
    %dma_start3A_249 = arith.constant 0 : i32
    %dma_start3A_250 = tpu.memref_slice %arg4[%add3A_243, %dma_start3A_249] : memref<16384x1024xf32, #tpu.memory_space<hbm>> -> memref<32x1024xf32, #tpu.memory_space<hbm>>
    %dma_start3A_251 = arith.constant 0 : i32
    %dma_start3A_252 = tpu.memref_slice %arg4[%add3A_243, %dma_start3A_251] : memref<16384x1024xf32, #tpu.memory_space<hbm>> -> memref<32x1024xf32, #tpu.memory_space<hbm>>
    %dma_start3A_253 = arith.constant 0 : i32
    %dma_start3A_254 = arith.constant 0 : i32
    %dma_start3A_255 = tpu.memref_slice %arg6[%dma_start3A_244, %dma_start3A_253, %dma_start3A_254] : memref<3x32x1024xf32, #tpu.memory_space<vmem>> -> memref<1x32x1024xf32, #tpu.memory_space<vmem>>
    %dma_start3A_256 = tpu.memref_squeeze %dma_start3A_255 : memref<1x32x1024xf32, #tpu.memory_space<vmem>> -> memref<32x1024xf32, #tpu.memory_space<vmem>>
    tpu.enqueue_dma source(%dma_start3A_256 : memref<32x1024xf32, #tpu.memory_space<vmem>>) target(%dma_start3A_252 : memref<32x1024xf32, #tpu.memory_space<hbm>>) target_semaphore(%arg8 : memref<!tpu.dma_semaphore, #tpu.memory_space<semaphore_mem>>)
    %dma_wait3A_257 = arith.constant 0 : i32
    %dma_wait3A_258 = arith.constant 0 : i32
    %dma_wait3A_259 = arith.constant 0 : i32
    %dma_wait3A_260 = tpu.memref_slice %arg6[%dma_wait3A_257, %dma_wait3A_258, %dma_wait3A_259] : memref<3x32x1024xf32, #tpu.memory_space<vmem>> -> memref<1x32x1024xf32, #tpu.memory_space<vmem>>
    %dma_wait3A_261 = tpu.memref_squeeze %dma_wait3A_260 : memref<1x32x1024xf32, #tpu.memory_space<vmem>> -> memref<32x1024xf32, #tpu.memory_space<vmem>>
    %dma_wait3A_262 = arith.constant 0 : i32
    %dma_wait3A_263 = tpu.memref_slice %arg4[%add3A_195, %dma_wait3A_262] : memref<16384x1024xf32, #tpu.memory_space<hbm>> -> memref<32x1024xf32, #tpu.memory_space<hbm>>
    %dma_wait3A_264 = arith.constant 0 : i32
    %dma_wait3A_265 = tpu.memref_slice %arg4[%add3A_195, %dma_wait3A_264] : memref<16384x1024xf32, #tpu.memory_space<hbm>> -> memref<32x1024xf32, #tpu.memory_space<hbm>>
    %dma_wait3A_266 = arith.constant 0 : i32
    %dma_wait3A_267 = arith.constant 0 : i32
    %dma_wait3A_268 = tpu.memref_slice %arg6[%dma_wait3A_257, %dma_wait3A_266, %dma_wait3A_267] : memref<3x32x1024xf32, #tpu.memory_space<vmem>> -> memref<1x32x1024xf32, #tpu.memory_space<vmem>>
    %dma_wait3A_269 = tpu.memref_squeeze %dma_wait3A_268 : memref<1x32x1024xf32, #tpu.memory_space<vmem>> -> memref<32x1024xf32, #tpu.memory_space<vmem>>
    tpu.wait_dma2 semaphore(%arg8 : memref<!tpu.dma_semaphore, #tpu.memory_space<semaphore_mem>>) src(%dma_wait3A_269 : memref<32x1024xf32, #tpu.memory_space<vmem>>) dst(%dma_wait3A_265 : memref<32x1024xf32, #tpu.memory_space<hbm>>)
    %dma_start3A_270 = arith.constant 0 : i32
    %dma_start3A_271 = arith.constant 0 : i32
    %dma_start3A_272 = arith.constant 0 : i32
    %dma_start3A_273 = tpu.memref_slice %arg6[%dma_start3A_270, %dma_start3A_271, %dma_start3A_272] : memref<3x32x1024xf32, #tpu.memory_space<vmem>> -> memref<1x32x1024xf32, #tpu.memory_space<vmem>>
    %dma_start3A_274 = tpu.memref_squeeze %dma_start3A_273 : memref<1x32x1024xf32, #tpu.memory_space<vmem>> -> memref<32x1024xf32, #tpu.memory_space<vmem>>
    %dma_start3A_275 = arith.constant 192 : i32
    %dma_start3A_276 = tpu.memref_slice %arg5[%dma_start3A_275] : memref<512xi32, #tpu.memory_space<vmem>> -> memref<32xi32, #tpu.memory_space<vmem>>
    %dma_start3A_277 = arith.constant 0 : i32
    %dma_start3A_278 = arith.constant 0 : i32
    %dma_start3A_279 = tpu.memref_slice %arg3[%dma_start3A_277, %dma_start3A_278] : memref<8192x1024xf32, #tpu.memory_space<hbm>> -> memref<8192x1024xf32, #tpu.memory_space<hbm>>
    tpu.enqueue_indirect_dma source(%dma_start3A_279 : memref<8192x1024xf32, #tpu.memory_space<hbm>>) target(%dma_start3A_274 : memref<32x1024xf32, #tpu.memory_space<vmem>>) offsets(%dma_start3A_276 : memref<32xi32, #tpu.memory_space<vmem>>) semaphore(%arg7 : memref<!tpu.dma_semaphore, #tpu.memory_space<semaphore_mem>>)
    %dma_wait3A_280 = arith.constant 2 : i32
    %dma_wait3A_281 = arith.constant 0 : i32
    %dma_wait3A_282 = arith.constant 0 : i32
    %dma_wait3A_283 = tpu.memref_slice %arg6[%dma_wait3A_280, %dma_wait3A_281, %dma_wait3A_282] : memref<3x32x1024xf32, #tpu.memory_space<vmem>> -> memref<1x32x1024xf32, #tpu.memory_space<vmem>>
    %dma_wait3A_284 = tpu.memref_squeeze %dma_wait3A_283 : memref<1x32x1024xf32, #tpu.memory_space<vmem>> -> memref<32x1024xf32, #tpu.memory_space<vmem>>
    %dma_wait3A_285 = arith.constant 160 : i32
    %dma_wait3A_286 = tpu.memref_slice %arg5[%dma_wait3A_285] : memref<512xi32, #tpu.memory_space<vmem>> -> memref<32xi32, #tpu.memory_space<vmem>>
    %dma_wait3A_287 = arith.constant 0 : i32
    %dma_wait3A_288 = arith.constant 0 : i32
    %dma_wait3A_289 = tpu.memref_slice %arg3[%dma_wait3A_287, %dma_wait3A_288] : memref<8192x1024xf32, #tpu.memory_space<hbm>> -> memref<8192x1024xf32, #tpu.memory_space<hbm>>
    tpu.wait_indirect_dma semaphore(%arg7 : memref<!tpu.dma_semaphore, #tpu.memory_space<semaphore_mem>>) src(%dma_wait3A_289 : memref<8192x1024xf32, #tpu.memory_space<hbm>>) dst(%dma_wait3A_284 : memref<32x1024xf32, #tpu.memory_space<vmem>>)
    %add3A_290 = arith.constant 160 : i32
    %add3A_291 = arith.addi %mul3A_2, %add3A_290 : i32
    %dma_start3A_292 = arith.constant 2 : i32
    %dma_start3A_293 = arith.constant 0 : i32
    %dma_start3A_294 = arith.constant 0 : i32
    %dma_start3A_295 = tpu.memref_slice %arg6[%dma_start3A_292, %dma_start3A_293, %dma_start3A_294] : memref<3x32x1024xf32, #tpu.memory_space<vmem>> -> memref<1x32x1024xf32, #tpu.memory_space<vmem>>
    %dma_start3A_296 = tpu.memref_squeeze %dma_start3A_295 : memref<1x32x1024xf32, #tpu.memory_space<vmem>> -> memref<32x1024xf32, #tpu.memory_space<vmem>>
    %dma_start3A_297 = arith.constant 0 : i32
    %dma_start3A_298 = tpu.memref_slice %arg4[%add3A_291, %dma_start3A_297] : memref<16384x1024xf32, #tpu.memory_space<hbm>> -> memref<32x1024xf32, #tpu.memory_space<hbm>>
    %dma_start3A_299 = arith.constant 0 : i32
    %dma_start3A_300 = tpu.memref_slice %arg4[%add3A_291, %dma_start3A_299] : memref<16384x1024xf32, #tpu.memory_space<hbm>> -> memref<32x1024xf32, #tpu.memory_space<hbm>>
    %dma_start3A_301 = arith.constant 0 : i32
    %dma_start3A_302 = arith.constant 0 : i32
    %dma_start3A_303 = tpu.memref_slice %arg6[%dma_start3A_292, %dma_start3A_301, %dma_start3A_302] : memref<3x32x1024xf32, #tpu.memory_space<vmem>> -> memref<1x32x1024xf32, #tpu.memory_space<vmem>>
    %dma_start3A_304 = tpu.memref_squeeze %dma_start3A_303 : memref<1x32x1024xf32, #tpu.memory_space<vmem>> -> memref<32x1024xf32, #tpu.memory_space<vmem>>
    tpu.enqueue_dma source(%dma_start3A_304 : memref<32x1024xf32, #tpu.memory_space<vmem>>) target(%dma_start3A_300 : memref<32x1024xf32, #tpu.memory_space<hbm>>) target_semaphore(%arg8 : memref<!tpu.dma_semaphore, #tpu.memory_space<semaphore_mem>>)
    %dma_wait3A_305 = arith.constant 1 : i32
    %dma_wait3A_306 = arith.constant 0 : i32
    %dma_wait3A_307 = arith.constant 0 : i32
    %dma_wait3A_308 = tpu.memref_slice %arg6[%dma_wait3A_305, %dma_wait3A_306, %dma_wait3A_307] : memref<3x32x1024xf32, #tpu.memory_space<vmem>> -> memref<1x32x1024xf32, #tpu.memory_space<vmem>>
    %dma_wait3A_309 = tpu.memref_squeeze %dma_wait3A_308 : memref<1x32x1024xf32, #tpu.memory_space<vmem>> -> memref<32x1024xf32, #tpu.memory_space<vmem>>
    %dma_wait3A_310 = arith.constant 0 : i32
    %dma_wait3A_311 = tpu.memref_slice %arg4[%add3A_243, %dma_wait3A_310] : memref<16384x1024xf32, #tpu.memory_space<hbm>> -> memref<32x1024xf32, #tpu.memory_space<hbm>>
    %dma_wait3A_312 = arith.constant 0 : i32
    %dma_wait3A_313 = tpu.memref_slice %arg4[%add3A_243, %dma_wait3A_312] : memref<16384x1024xf32, #tpu.memory_space<hbm>> -> memref<32x1024xf32, #tpu.memory_space<hbm>>
    %dma_wait3A_314 = arith.constant 0 : i32
    %dma_wait3A_315 = arith.constant 0 : i32
    %dma_wait3A_316 = tpu.memref_slice %arg6[%dma_wait3A_305, %dma_wait3A_314, %dma_wait3A_315] : memref<3x32x1024xf32, #tpu.memory_space<vmem>> -> memref<1x32x1024xf32, #tpu.memory_space<vmem>>
    %dma_wait3A_317 = tpu.memref_squeeze %dma_wait3A_316 : memref<1x32x1024xf32, #tpu.memory_space<vmem>> -> memref<32x1024xf32, #tpu.memory_space<vmem>>
    tpu.wait_dma2 semaphore(%arg8 : memref<!tpu.dma_semaphore, #tpu.memory_space<semaphore_mem>>) src(%dma_wait3A_317 : memref<32x1024xf32, #tpu.memory_space<vmem>>) dst(%dma_wait3A_313 : memref<32x1024xf32, #tpu.memory_space<hbm>>)
    %dma_start3A_318 = arith.constant 1 : i32
    %dma_start3A_319 = arith.constant 0 : i32
    %dma_start3A_320 = arith.constant 0 : i32
    %dma_start3A_321 = tpu.memref_slice %arg6[%dma_start3A_318, %dma_start3A_319, %dma_start3A_320] : memref<3x32x1024xf32, #tpu.memory_space<vmem>> -> memref<1x32x1024xf32, #tpu.memory_space<vmem>>
    %dma_start3A_322 = tpu.memref_squeeze %dma_start3A_321 : memref<1x32x1024xf32, #tpu.memory_space<vmem>> -> memref<32x1024xf32, #tpu.memory_space<vmem>>
    %dma_start3A_323 = arith.constant 224 : i32
    %dma_start3A_324 = tpu.memref_slice %arg5[%dma_start3A_323] : memref<512xi32, #tpu.memory_space<vmem>> -> memref<32xi32, #tpu.memory_space<vmem>>
    %dma_start3A_325 = arith.constant 0 : i32
    %dma_start3A_326 = arith.constant 0 : i32
    %dma_start3A_327 = tpu.memref_slice %arg3[%dma_start3A_325, %dma_start3A_326] : memref<8192x1024xf32, #tpu.memory_space<hbm>> -> memref<8192x1024xf32, #tpu.memory_space<hbm>>
    tpu.enqueue_indirect_dma source(%dma_start3A_327 : memref<8192x1024xf32, #tpu.memory_space<hbm>>) target(%dma_start3A_322 : memref<32x1024xf32, #tpu.memory_space<vmem>>) offsets(%dma_start3A_324 : memref<32xi32, #tpu.memory_space<vmem>>) semaphore(%arg7 : memref<!tpu.dma_semaphore, #tpu.memory_space<semaphore_mem>>)
    %dma_wait3A_328 = arith.constant 0 : i32
    %dma_wait3A_329 = arith.constant 0 : i32
    %dma_wait3A_330 = arith.constant 0 : i32
    %dma_wait3A_331 = tpu.memref_slice %arg6[%dma_wait3A_328, %dma_wait3A_329, %dma_wait3A_330] : memref<3x32x1024xf32, #tpu.memory_space<vmem>> -> memref<1x32x1024xf32, #tpu.memory_space<vmem>>
    %dma_wait3A_332 = tpu.memref_squeeze %dma_wait3A_331 : memref<1x32x1024xf32, #tpu.memory_space<vmem>> -> memref<32x1024xf32, #tpu.memory_space<vmem>>
    %dma_wait3A_333 = arith.constant 192 : i32
    %dma_wait3A_334 = tpu.memref_slice %arg5[%dma_wait3A_333] : memref<512xi32, #tpu.memory_space<vmem>> -> memref<32xi32, #tpu.memory_space<vmem>>
    %dma_wait3A_335 = arith.constant 0 : i32
    %dma_wait3A_336 = arith.constant 0 : i32
    %dma_wait3A_337 = tpu.memref_slice %arg3[%dma_wait3A_335, %dma_wait3A_336] : memref<8192x1024xf32, #tpu.memory_space<hbm>> -> memref<8192x1024xf32, #tpu.memory_space<hbm>>
    tpu.wait_indirect_dma semaphore(%arg7 : memref<!tpu.dma_semaphore, #tpu.memory_space<semaphore_mem>>) src(%dma_wait3A_337 : memref<8192x1024xf32, #tpu.memory_space<hbm>>) dst(%dma_wait3A_332 : memref<32x1024xf32, #tpu.memory_space<vmem>>)
    %add3A_338 = arith.constant 192 : i32
    %add3A_339 = arith.addi %mul3A_2, %add3A_338 : i32
    %dma_start3A_340 = arith.constant 0 : i32
    %dma_start3A_341 = arith.constant 0 : i32
    %dma_start3A_342 = arith.constant 0 : i32
    %dma_start3A_343 = tpu.memref_slice %arg6[%dma_start3A_340, %dma_start3A_341, %dma_start3A_342] : memref<3x32x1024xf32, #tpu.memory_space<vmem>> -> memref<1x32x1024xf32, #tpu.memory_space<vmem>>
    %dma_start3A_344 = tpu.memref_squeeze %dma_start3A_343 : memref<1x32x1024xf32, #tpu.memory_space<vmem>> -> memref<32x1024xf32, #tpu.memory_space<vmem>>
    %dma_start3A_345 = arith.constant 0 : i32
    %dma_start3A_346 = tpu.memref_slice %arg4[%add3A_339, %dma_start3A_345] : memref<16384x1024xf32, #tpu.memory_space<hbm>> -> memref<32x1024xf32, #tpu.memory_space<hbm>>
    %dma_start3A_347 = arith.constant 0 : i32
    %dma_start3A_348 = tpu.memref_slice %arg4[%add3A_339, %dma_start3A_347] : memref<16384x1024xf32, #tpu.memory_space<hbm>> -> memref<32x1024xf32, #tpu.memory_space<hbm>>
    %dma_start3A_349 = arith.constant 0 : i32
    %dma_start3A_350 = arith.constant 0 : i32
    %dma_start3A_351 = tpu.memref_slice %arg6[%dma_start3A_340, %dma_start3A_349, %dma_start3A_350] : memref<3x32x1024xf32, #tpu.memory_space<vmem>> -> memref<1x32x1024xf32, #tpu.memory_space<vmem>>
    %dma_start3A_352 = tpu.memref_squeeze %dma_start3A_351 : memref<1x32x1024xf32, #tpu.memory_space<vmem>> -> memref<32x1024xf32, #tpu.memory_space<vmem>>
    tpu.enqueue_dma source(%dma_start3A_352 : memref<32x1024xf32, #tpu.memory_space<vmem>>) target(%dma_start3A_348 : memref<32x1024xf32, #tpu.memory_space<hbm>>) target_semaphore(%arg8 : memref<!tpu.dma_semaphore, #tpu.memory_space<semaphore_mem>>)
    %dma_wait3A_353 = arith.constant 2 : i32
    %dma_wait3A_354 = arith.constant 0 : i32
    %dma_wait3A_355 = arith.constant 0 : i32
    %dma_wait3A_356 = tpu.memref_slice %arg6[%dma_wait3A_353, %dma_wait3A_354, %dma_wait3A_355] : memref<3x32x1024xf32, #tpu.memory_space<vmem>> -> memref<1x32x1024xf32, #tpu.memory_space<vmem>>
    %dma_wait3A_357 = tpu.memref_squeeze %dma_wait3A_356 : memref<1x32x1024xf32, #tpu.memory_space<vmem>> -> memref<32x1024xf32, #tpu.memory_space<vmem>>
    %dma_wait3A_358 = arith.constant 0 : i32
    %dma_wait3A_359 = tpu.memref_slice %arg4[%add3A_291, %dma_wait3A_358] : memref<16384x1024xf32, #tpu.memory_space<hbm>> -> memref<32x1024xf32, #tpu.memory_space<hbm>>
    %dma_wait3A_360 = arith.constant 0 : i32
    %dma_wait3A_361 = tpu.memref_slice %arg4[%add3A_291, %dma_wait3A_360] : memref<16384x1024xf32, #tpu.memory_space<hbm>> -> memref<32x1024xf32, #tpu.memory_space<hbm>>
    %dma_wait3A_362 = arith.constant 0 : i32
    %dma_wait3A_363 = arith.constant 0 : i32
    %dma_wait3A_364 = tpu.memref_slice %arg6[%dma_wait3A_353, %dma_wait3A_362, %dma_wait3A_363] : memref<3x32x1024xf32, #tpu.memory_space<vmem>> -> memref<1x32x1024xf32, #tpu.memory_space<vmem>>
    %dma_wait3A_365 = tpu.memref_squeeze %dma_wait3A_364 : memref<1x32x1024xf32, #tpu.memory_space<vmem>> -> memref<32x1024xf32, #tpu.memory_space<vmem>>
    tpu.wait_dma2 semaphore(%arg8 : memref<!tpu.dma_semaphore, #tpu.memory_space<semaphore_mem>>) src(%dma_wait3A_365 : memref<32x1024xf32, #tpu.memory_space<vmem>>) dst(%dma_wait3A_361 : memref<32x1024xf32, #tpu.memory_space<hbm>>)
    %dma_start3A_366 = arith.constant 2 : i32
    %dma_start3A_367 = arith.constant 0 : i32
    %dma_start3A_368 = arith.constant 0 : i32
    %dma_start3A_369 = tpu.memref_slice %arg6[%dma_start3A_366, %dma_start3A_367, %dma_start3A_368] : memref<3x32x1024xf32, #tpu.memory_space<vmem>> -> memref<1x32x1024xf32, #tpu.memory_space<vmem>>
    %dma_start3A_370 = tpu.memref_squeeze %dma_start3A_369 : memref<1x32x1024xf32, #tpu.memory_space<vmem>> -> memref<32x1024xf32, #tpu.memory_space<vmem>>
    %dma_start3A_371 = arith.constant 256 : i32
    %dma_start3A_372 = tpu.memref_slice %arg5[%dma_start3A_371] : memref<512xi32, #tpu.memory_space<vmem>> -> memref<32xi32, #tpu.memory_space<vmem>>
    %dma_start3A_373 = arith.constant 0 : i32
    %dma_start3A_374 = arith.constant 0 : i32
    %dma_start3A_375 = tpu.memref_slice %arg3[%dma_start3A_373, %dma_start3A_374] : memref<8192x1024xf32, #tpu.memory_space<hbm>> -> memref<8192x1024xf32, #tpu.memory_space<hbm>>
    tpu.enqueue_indirect_dma source(%dma_start3A_375 : memref<8192x1024xf32, #tpu.memory_space<hbm>>) target(%dma_start3A_370 : memref<32x1024xf32, #tpu.memory_space<vmem>>) offsets(%dma_start3A_372 : memref<32xi32, #tpu.memory_space<vmem>>) semaphore(%arg7 : memref<!tpu.dma_semaphore, #tpu.memory_space<semaphore_mem>>)
    %dma_wait3A_376 = arith.constant 1 : i32
    %dma_wait3A_377 = arith.constant 0 : i32
    %dma_wait3A_378 = arith.constant 0 : i32
    %dma_wait3A_379 = tpu.memref_slice %arg6[%dma_wait3A_376, %dma_wait3A_377, %dma_wait3A_378] : memref<3x32x1024xf32, #tpu.memory_space<vmem>> -> memref<1x32x1024xf32, #tpu.memory_space<vmem>>
    %dma_wait3A_380 = tpu.memref_squeeze %dma_wait3A_379 : memref<1x32x1024xf32, #tpu.memory_space<vmem>> -> memref<32x1024xf32, #tpu.memory_space<vmem>>
    %dma_wait3A_381 = arith.constant 224 : i32
    %dma_wait3A_382 = tpu.memref_slice %arg5[%dma_wait3A_381] : memref<512xi32, #tpu.memory_space<vmem>> -> memref<32xi32, #tpu.memory_space<vmem>>
    %dma_wait3A_383 = arith.constant 0 : i32
    %dma_wait3A_384 = arith.constant 0 : i32
    %dma_wait3A_385 = tpu.memref_slice %arg3[%dma_wait3A_383, %dma_wait3A_384] : memref<8192x1024xf32, #tpu.memory_space<hbm>> -> memref<8192x1024xf32, #tpu.memory_space<hbm>>
    tpu.wait_indirect_dma semaphore(%arg7 : memref<!tpu.dma_semaphore, #tpu.memory_space<semaphore_mem>>) src(%dma_wait3A_385 : memref<8192x1024xf32, #tpu.memory_space<hbm>>) dst(%dma_wait3A_380 : memref<32x1024xf32, #tpu.memory_space<vmem>>)
    %add3A_386 = arith.constant 224 : i32
    %add3A_387 = arith.addi %mul3A_2, %add3A_386 : i32
    %dma_start3A_388 = arith.constant 1 : i32
    %dma_start3A_389 = arith.constant 0 : i32
    %dma_start3A_390 = arith.constant 0 : i32
    %dma_start3A_391 = tpu.memref_slice %arg6[%dma_start3A_388, %dma_start3A_389, %dma_start3A_390] : memref<3x32x1024xf32, #tpu.memory_space<vmem>> -> memref<1x32x1024xf32, #tpu.memory_space<vmem>>
    %dma_start3A_392 = tpu.memref_squeeze %dma_start3A_391 : memref<1x32x1024xf32, #tpu.memory_space<vmem>> -> memref<32x1024xf32, #tpu.memory_space<vmem>>
    %dma_start3A_393 = arith.constant 0 : i32
    %dma_start3A_394 = tpu.memref_slice %arg4[%add3A_387, %dma_start3A_393] : memref<16384x1024xf32, #tpu.memory_space<hbm>> -> memref<32x1024xf32, #tpu.memory_space<hbm>>
    %dma_start3A_395 = arith.constant 0 : i32
    %dma_start3A_396 = tpu.memref_slice %arg4[%add3A_387, %dma_start3A_395] : memref<16384x1024xf32, #tpu.memory_space<hbm>> -> memref<32x1024xf32, #tpu.memory_space<hbm>>
    %dma_start3A_397 = arith.constant 0 : i32
    %dma_start3A_398 = arith.constant 0 : i32
    %dma_start3A_399 = tpu.memref_slice %arg6[%dma_start3A_388, %dma_start3A_397, %dma_start3A_398] : memref<3x32x1024xf32, #tpu.memory_space<vmem>> -> memref<1x32x1024xf32, #tpu.memory_space<vmem>>
    %dma_start3A_400 = tpu.memref_squeeze %dma_start3A_399 : memref<1x32x1024xf32, #tpu.memory_space<vmem>> -> memref<32x1024xf32, #tpu.memory_space<vmem>>
    tpu.enqueue_dma source(%dma_start3A_400 : memref<32x1024xf32, #tpu.memory_space<vmem>>) target(%dma_start3A_396 : memref<32x1024xf32, #tpu.memory_space<hbm>>) target_semaphore(%arg8 : memref<!tpu.dma_semaphore, #tpu.memory_space<semaphore_mem>>)
    %dma_wait3A_401 = arith.constant 0 : i32
    %dma_wait3A_402 = arith.constant 0 : i32
    %dma_wait3A_403 = arith.constant 0 : i32
    %dma_wait3A_404 = tpu.memref_slice %arg6[%dma_wait3A_401, %dma_wait3A_402, %dma_wait3A_403] : memref<3x32x1024xf32, #tpu.memory_space<vmem>> -> memref<1x32x1024xf32, #tpu.memory_space<vmem>>
    %dma_wait3A_405 = tpu.memref_squeeze %dma_wait3A_404 : memref<1x32x1024xf32, #tpu.memory_space<vmem>> -> memref<32x1024xf32, #tpu.memory_space<vmem>>
    %dma_wait3A_406 = arith.constant 0 : i32
    %dma_wait3A_407 = tpu.memref_slice %arg4[%add3A_339, %dma_wait3A_406] : memref<16384x1024xf32, #tpu.memory_space<hbm>> -> memref<32x1024xf32, #tpu.memory_space<hbm>>
    %dma_wait3A_408 = arith.constant 0 : i32
    %dma_wait3A_409 = tpu.memref_slice %arg4[%add3A_339, %dma_wait3A_408] : memref<16384x1024xf32, #tpu.memory_space<hbm>> -> memref<32x1024xf32, #tpu.memory_space<hbm>>
    %dma_wait3A_410 = arith.constant 0 : i32
    %dma_wait3A_411 = arith.constant 0 : i32
    %dma_wait3A_412 = tpu.memref_slice %arg6[%dma_wait3A_401, %dma_wait3A_410, %dma_wait3A_411] : memref<3x32x1024xf32, #tpu.memory_space<vmem>> -> memref<1x32x1024xf32, #tpu.memory_space<vmem>>
    %dma_wait3A_413 = tpu.memref_squeeze %dma_wait3A_412 : memref<1x32x1024xf32, #tpu.memory_space<vmem>> -> memref<32x1024xf32, #tpu.memory_space<vmem>>
    tpu.wait_dma2 semaphore(%arg8 : memref<!tpu.dma_semaphore, #tpu.memory_space<semaphore_mem>>) src(%dma_wait3A_413 : memref<32x1024xf32, #tpu.memory_space<vmem>>) dst(%dma_wait3A_409 : memref<32x1024xf32, #tpu.memory_space<hbm>>)
    %dma_start3A_414 = arith.constant 0 : i32
    %dma_start3A_415 = arith.constant 0 : i32
    %dma_start3A_416 = arith.constant 0 : i32
    %dma_start3A_417 = tpu.memref_slice %arg6[%dma_start3A_414, %dma_start3A_415, %dma_start3A_416] : memref<3x32x1024xf32, #tpu.memory_space<vmem>> -> memref<1x32x1024xf32, #tpu.memory_space<vmem>>
    %dma_start3A_418 = tpu.memref_squeeze %dma_start3A_417 : memref<1x32x1024xf32, #tpu.memory_space<vmem>> -> memref<32x1024xf32, #tpu.memory_space<vmem>>
    %dma_start3A_419 = arith.constant 288 : i32
    %dma_start3A_420 = tpu.memref_slice %arg5[%dma_start3A_419] : memref<512xi32, #tpu.memory_space<vmem>> -> memref<32xi32, #tpu.memory_space<vmem>>
    %dma_start3A_421 = arith.constant 0 : i32
    %dma_start3A_422 = arith.constant 0 : i32
    %dma_start3A_423 = tpu.memref_slice %arg3[%dma_start3A_421, %dma_start3A_422] : memref<8192x1024xf32, #tpu.memory_space<hbm>> -> memref<8192x1024xf32, #tpu.memory_space<hbm>>
    tpu.enqueue_indirect_dma source(%dma_start3A_423 : memref<8192x1024xf32, #tpu.memory_space<hbm>>) target(%dma_start3A_418 : memref<32x1024xf32, #tpu.memory_space<vmem>>) offsets(%dma_start3A_420 : memref<32xi32, #tpu.memory_space<vmem>>) semaphore(%arg7 : memref<!tpu.dma_semaphore, #tpu.memory_space<semaphore_mem>>)
    %dma_wait3A_424 = arith.constant 2 : i32
    %dma_wait3A_425 = arith.constant 0 : i32
    %dma_wait3A_426 = arith.constant 0 : i32
    %dma_wait3A_427 = tpu.memref_slice %arg6[%dma_wait3A_424, %dma_wait3A_425, %dma_wait3A_426] : memref<3x32x1024xf32, #tpu.memory_space<vmem>> -> memref<1x32x1024xf32, #tpu.memory_space<vmem>>
    %dma_wait3A_428 = tpu.memref_squeeze %dma_wait3A_427 : memref<1x32x1024xf32, #tpu.memory_space<vmem>> -> memref<32x1024xf32, #tpu.memory_space<vmem>>
    %dma_wait3A_429 = arith.constant 256 : i32
    %dma_wait3A_430 = tpu.memref_slice %arg5[%dma_wait3A_429] : memref<512xi32, #tpu.memory_space<vmem>> -> memref<32xi32, #tpu.memory_space<vmem>>
    %dma_wait3A_431 = arith.constant 0 : i32
    %dma_wait3A_432 = arith.constant 0 : i32
    %dma_wait3A_433 = tpu.memref_slice %arg3[%dma_wait3A_431, %dma_wait3A_432] : memref<8192x1024xf32, #tpu.memory_space<hbm>> -> memref<8192x1024xf32, #tpu.memory_space<hbm>>
    tpu.wait_indirect_dma semaphore(%arg7 : memref<!tpu.dma_semaphore, #tpu.memory_space<semaphore_mem>>) src(%dma_wait3A_433 : memref<8192x1024xf32, #tpu.memory_space<hbm>>) dst(%dma_wait3A_428 : memref<32x1024xf32, #tpu.memory_space<vmem>>)
    %add3A_434 = arith.constant 256 : i32
    %add3A_435 = arith.addi %mul3A_2, %add3A_434 : i32
    %dma_start3A_436 = arith.constant 2 : i32
    %dma_start3A_437 = arith.constant 0 : i32
    %dma_start3A_438 = arith.constant 0 : i32
    %dma_start3A_439 = tpu.memref_slice %arg6[%dma_start3A_436, %dma_start3A_437, %dma_start3A_438] : memref<3x32x1024xf32, #tpu.memory_space<vmem>> -> memref<1x32x1024xf32, #tpu.memory_space<vmem>>
    %dma_start3A_440 = tpu.memref_squeeze %dma_start3A_439 : memref<1x32x1024xf32, #tpu.memory_space<vmem>> -> memref<32x1024xf32, #tpu.memory_space<vmem>>
    %dma_start3A_441 = arith.constant 0 : i32
    %dma_start3A_442 = tpu.memref_slice %arg4[%add3A_435, %dma_start3A_441] : memref<16384x1024xf32, #tpu.memory_space<hbm>> -> memref<32x1024xf32, #tpu.memory_space<hbm>>
    %dma_start3A_443 = arith.constant 0 : i32
    %dma_start3A_444 = tpu.memref_slice %arg4[%add3A_435, %dma_start3A_443] : memref<16384x1024xf32, #tpu.memory_space<hbm>> -> memref<32x1024xf32, #tpu.memory_space<hbm>>
    %dma_start3A_445 = arith.constant 0 : i32
    %dma_start3A_446 = arith.constant 0 : i32
    %dma_start3A_447 = tpu.memref_slice %arg6[%dma_start3A_436, %dma_start3A_445, %dma_start3A_446] : memref<3x32x1024xf32, #tpu.memory_space<vmem>> -> memref<1x32x1024xf32, #tpu.memory_space<vmem>>
    %dma_start3A_448 = tpu.memref_squeeze %dma_start3A_447 : memref<1x32x1024xf32, #tpu.memory_space<vmem>> -> memref<32x1024xf32, #tpu.memory_space<vmem>>
    tpu.enqueue_dma source(%dma_start3A_448 : memref<32x1024xf32, #tpu.memory_space<vmem>>) target(%dma_start3A_444 : memref<32x1024xf32, #tpu.memory_space<hbm>>) target_semaphore(%arg8 : memref<!tpu.dma_semaphore, #tpu.memory_space<semaphore_mem>>)
    %dma_wait3A_449 = arith.constant 1 : i32
    %dma_wait3A_450 = arith.constant 0 : i32
    %dma_wait3A_451 = arith.constant 0 : i32
    %dma_wait3A_452 = tpu.memref_slice %arg6[%dma_wait3A_449, %dma_wait3A_450, %dma_wait3A_451] : memref<3x32x1024xf32, #tpu.memory_space<vmem>> -> memref<1x32x1024xf32, #tpu.memory_space<vmem>>
    %dma_wait3A_453 = tpu.memref_squeeze %dma_wait3A_452 : memref<1x32x1024xf32, #tpu.memory_space<vmem>> -> memref<32x1024xf32, #tpu.memory_space<vmem>>
    %dma_wait3A_454 = arith.constant 0 : i32
    %dma_wait3A_455 = tpu.memref_slice %arg4[%add3A_387, %dma_wait3A_454] : memref<16384x1024xf32, #tpu.memory_space<hbm>> -> memref<32x1024xf32, #tpu.memory_space<hbm>>
    %dma_wait3A_456 = arith.constant 0 : i32
    %dma_wait3A_457 = tpu.memref_slice %arg4[%add3A_387, %dma_wait3A_456] : memref<16384x1024xf32, #tpu.memory_space<hbm>> -> memref<32x1024xf32, #tpu.memory_space<hbm>>
    %dma_wait3A_458 = arith.constant 0 : i32
    %dma_wait3A_459 = arith.constant 0 : i32
    %dma_wait3A_460 = tpu.memref_slice %arg6[%dma_wait3A_449, %dma_wait3A_458, %dma_wait3A_459] : memref<3x32x1024xf32, #tpu.memory_space<vmem>> -> memref<1x32x1024xf32, #tpu.memory_space<vmem>>
    %dma_wait3A_461 = tpu.memref_squeeze %dma_wait3A_460 : memref<1x32x1024xf32, #tpu.memory_space<vmem>> -> memref<32x1024xf32, #tpu.memory_space<vmem>>
    tpu.wait_dma2 semaphore(%arg8 : memref<!tpu.dma_semaphore, #tpu.memory_space<semaphore_mem>>) src(%dma_wait3A_461 : memref<32x1024xf32, #tpu.memory_space<vmem>>) dst(%dma_wait3A_457 : memref<32x1024xf32, #tpu.memory_space<hbm>>)
    %dma_start3A_462 = arith.constant 1 : i32
    %dma_start3A_463 = arith.constant 0 : i32
    %dma_start3A_464 = arith.constant 0 : i32
    %dma_start3A_465 = tpu.memref_slice %arg6[%dma_start3A_462, %dma_start3A_463, %dma_start3A_464] : memref<3x32x1024xf32, #tpu.memory_space<vmem>> -> memref<1x32x1024xf32, #tpu.memory_space<vmem>>
    %dma_start3A_466 = tpu.memref_squeeze %dma_start3A_465 : memref<1x32x1024xf32, #tpu.memory_space<vmem>> -> memref<32x1024xf32, #tpu.memory_space<vmem>>
    %dma_start3A_467 = arith.constant 320 : i32
    %dma_start3A_468 = tpu.memref_slice %arg5[%dma_start3A_467] : memref<512xi32, #tpu.memory_space<vmem>> -> memref<32xi32, #tpu.memory_space<vmem>>
    %dma_start3A_469 = arith.constant 0 : i32
    %dma_start3A_470 = arith.constant 0 : i32
    %dma_start3A_471 = tpu.memref_slice %arg3[%dma_start3A_469, %dma_start3A_470] : memref<8192x1024xf32, #tpu.memory_space<hbm>> -> memref<8192x1024xf32, #tpu.memory_space<hbm>>
    tpu.enqueue_indirect_dma source(%dma_start3A_471 : memref<8192x1024xf32, #tpu.memory_space<hbm>>) target(%dma_start3A_466 : memref<32x1024xf32, #tpu.memory_space<vmem>>) offsets(%dma_start3A_468 : memref<32xi32, #tpu.memory_space<vmem>>) semaphore(%arg7 : memref<!tpu.dma_semaphore, #tpu.memory_space<semaphore_mem>>)
    %dma_wait3A_472 = arith.constant 0 : i32
    %dma_wait3A_473 = arith.constant 0 : i32
    %dma_wait3A_474 = arith.constant 0 : i32
    %dma_wait3A_475 = tpu.memref_slice %arg6[%dma_wait3A_472, %dma_wait3A_473, %dma_wait3A_474] : memref<3x32x1024xf32, #tpu.memory_space<vmem>> -> memref<1x32x1024xf32, #tpu.memory_space<vmem>>
    %dma_wait3A_476 = tpu.memref_squeeze %dma_wait3A_475 : memref<1x32x1024xf32, #tpu.memory_space<vmem>> -> memref<32x1024xf32, #tpu.memory_space<vmem>>
    %dma_wait3A_477 = arith.constant 288 : i32
    %dma_wait3A_478 = tpu.memref_slice %arg5[%dma_wait3A_477] : memref<512xi32, #tpu.memory_space<vmem>> -> memref<32xi32, #tpu.memory_space<vmem>>
    %dma_wait3A_479 = arith.constant 0 : i32
    %dma_wait3A_480 = arith.constant 0 : i32
    %dma_wait3A_481 = tpu.memref_slice %arg3[%dma_wait3A_479, %dma_wait3A_480] : memref<8192x1024xf32, #tpu.memory_space<hbm>> -> memref<8192x1024xf32, #tpu.memory_space<hbm>>
    tpu.wait_indirect_dma semaphore(%arg7 : memref<!tpu.dma_semaphore, #tpu.memory_space<semaphore_mem>>) src(%dma_wait3A_481 : memref<8192x1024xf32, #tpu.memory_space<hbm>>) dst(%dma_wait3A_476 : memref<32x1024xf32, #tpu.memory_space<vmem>>)
    %add3A_482 = arith.constant 288 : i32
    %add3A_483 = arith.addi %mul3A_2, %add3A_482 : i32
    %dma_start3A_484 = arith.constant 0 : i32
    %dma_start3A_485 = arith.constant 0 : i32
    %dma_start3A_486 = arith.constant 0 : i32
    %dma_start3A_487 = tpu.memref_slice %arg6[%dma_start3A_484, %dma_start3A_485, %dma_start3A_486] : memref<3x32x1024xf32, #tpu.memory_space<vmem>> -> memref<1x32x1024xf32, #tpu.memory_space<vmem>>
    %dma_start3A_488 = tpu.memref_squeeze %dma_start3A_487 : memref<1x32x1024xf32, #tpu.memory_space<vmem>> -> memref<32x1024xf32, #tpu.memory_space<vmem>>
    %dma_start3A_489 = arith.constant 0 : i32
    %dma_start3A_490 = tpu.memref_slice %arg4[%add3A_483, %dma_start3A_489] : memref<16384x1024xf32, #tpu.memory_space<hbm>> -> memref<32x1024xf32, #tpu.memory_space<hbm>>
    %dma_start3A_491 = arith.constant 0 : i32
    %dma_start3A_492 = tpu.memref_slice %arg4[%add3A_483, %dma_start3A_491] : memref<16384x1024xf32, #tpu.memory_space<hbm>> -> memref<32x1024xf32, #tpu.memory_space<hbm>>
    %dma_start3A_493 = arith.constant 0 : i32
    %dma_start3A_494 = arith.constant 0 : i32
    %dma_start3A_495 = tpu.memref_slice %arg6[%dma_start3A_484, %dma_start3A_493, %dma_start3A_494] : memref<3x32x1024xf32, #tpu.memory_space<vmem>> -> memref<1x32x1024xf32, #tpu.memory_space<vmem>>
    %dma_start3A_496 = tpu.memref_squeeze %dma_start3A_495 : memref<1x32x1024xf32, #tpu.memory_space<vmem>> -> memref<32x1024xf32, #tpu.memory_space<vmem>>
    tpu.enqueue_dma source(%dma_start3A_496 : memref<32x1024xf32, #tpu.memory_space<vmem>>) target(%dma_start3A_492 : memref<32x1024xf32, #tpu.memory_space<hbm>>) target_semaphore(%arg8 : memref<!tpu.dma_semaphore, #tpu.memory_space<semaphore_mem>>)
    %dma_wait3A_497 = arith.constant 2 : i32
    %dma_wait3A_498 = arith.constant 0 : i32
    %dma_wait3A_499 = arith.constant 0 : i32
    %dma_wait3A_500 = tpu.memref_slice %arg6[%dma_wait3A_497, %dma_wait3A_498, %dma_wait3A_499] : memref<3x32x1024xf32, #tpu.memory_space<vmem>> -> memref<1x32x1024xf32, #tpu.memory_space<vmem>>
    %dma_wait3A_501 = tpu.memref_squeeze %dma_wait3A_500 : memref<1x32x1024xf32, #tpu.memory_space<vmem>> -> memref<32x1024xf32, #tpu.memory_space<vmem>>
    %dma_wait3A_502 = arith.constant 0 : i32
    %dma_wait3A_503 = tpu.memref_slice %arg4[%add3A_435, %dma_wait3A_502] : memref<16384x1024xf32, #tpu.memory_space<hbm>> -> memref<32x1024xf32, #tpu.memory_space<hbm>>
    %dma_wait3A_504 = arith.constant 0 : i32
    %dma_wait3A_505 = tpu.memref_slice %arg4[%add3A_435, %dma_wait3A_504] : memref<16384x1024xf32, #tpu.memory_space<hbm>> -> memref<32x1024xf32, #tpu.memory_space<hbm>>
    %dma_wait3A_506 = arith.constant 0 : i32
    %dma_wait3A_507 = arith.constant 0 : i32
    %dma_wait3A_508 = tpu.memref_slice %arg6[%dma_wait3A_497, %dma_wait3A_506, %dma_wait3A_507] : memref<3x32x1024xf32, #tpu.memory_space<vmem>> -> memref<1x32x1024xf32, #tpu.memory_space<vmem>>
    %dma_wait3A_509 = tpu.memref_squeeze %dma_wait3A_508 : memref<1x32x1024xf32, #tpu.memory_space<vmem>> -> memref<32x1024xf32, #tpu.memory_space<vmem>>
    tpu.wait_dma2 semaphore(%arg8 : memref<!tpu.dma_semaphore, #tpu.memory_space<semaphore_mem>>) src(%dma_wait3A_509 : memref<32x1024xf32, #tpu.memory_space<vmem>>) dst(%dma_wait3A_505 : memref<32x1024xf32, #tpu.memory_space<hbm>>)
    %dma_start3A_510 = arith.constant 2 : i32
    %dma_start3A_511 = arith.constant 0 : i32
    %dma_start3A_512 = arith.constant 0 : i32
    %dma_start3A_513 = tpu.memref_slice %arg6[%dma_start3A_510, %dma_start3A_511, %dma_start3A_512] : memref<3x32x1024xf32, #tpu.memory_space<vmem>> -> memref<1x32x1024xf32, #tpu.memory_space<vmem>>
    %dma_start3A_514 = tpu.memref_squeeze %dma_start3A_513 : memref<1x32x1024xf32, #tpu.memory_space<vmem>> -> memref<32x1024xf32, #tpu.memory_space<vmem>>
    %dma_start3A_515 = arith.constant 352 : i32
    %dma_start3A_516 = tpu.memref_slice %arg5[%dma_start3A_515] : memref<512xi32, #tpu.memory_space<vmem>> -> memref<32xi32, #tpu.memory_space<vmem>>
    %dma_start3A_517 = arith.constant 0 : i32
    %dma_start3A_518 = arith.constant 0 : i32
    %dma_start3A_519 = tpu.memref_slice %arg3[%dma_start3A_517, %dma_start3A_518] : memref<8192x1024xf32, #tpu.memory_space<hbm>> -> memref<8192x1024xf32, #tpu.memory_space<hbm>>
    tpu.enqueue_indirect_dma source(%dma_start3A_519 : memref<8192x1024xf32, #tpu.memory_space<hbm>>) target(%dma_start3A_514 : memref<32x1024xf32, #tpu.memory_space<vmem>>) offsets(%dma_start3A_516 : memref<32xi32, #tpu.memory_space<vmem>>) semaphore(%arg7 : memref<!tpu.dma_semaphore, #tpu.memory_space<semaphore_mem>>)
    %dma_wait3A_520 = arith.constant 1 : i32
    %dma_wait3A_521 = arith.constant 0 : i32
    %dma_wait3A_522 = arith.constant 0 : i32
    %dma_wait3A_523 = tpu.memref_slice %arg6[%dma_wait3A_520, %dma_wait3A_521, %dma_wait3A_522] : memref<3x32x1024xf32, #tpu.memory_space<vmem>> -> memref<1x32x1024xf32, #tpu.memory_space<vmem>>
    %dma_wait3A_524 = tpu.memref_squeeze %dma_wait3A_523 : memref<1x32x1024xf32, #tpu.memory_space<vmem>> -> memref<32x1024xf32, #tpu.memory_space<vmem>>
    %dma_wait3A_525 = arith.constant 320 : i32
    %dma_wait3A_526 = tpu.memref_slice %arg5[%dma_wait3A_525] : memref<512xi32, #tpu.memory_space<vmem>> -> memref<32xi32, #tpu.memory_space<vmem>>
    %dma_wait3A_527 = arith.constant 0 : i32
    %dma_wait3A_528 = arith.constant 0 : i32
    %dma_wait3A_529 = tpu.memref_slice %arg3[%dma_wait3A_527, %dma_wait3A_528] : memref<8192x1024xf32, #tpu.memory_space<hbm>> -> memref<8192x1024xf32, #tpu.memory_space<hbm>>
    tpu.wait_indirect_dma semaphore(%arg7 : memref<!tpu.dma_semaphore, #tpu.memory_space<semaphore_mem>>) src(%dma_wait3A_529 : memref<8192x1024xf32, #tpu.memory_space<hbm>>) dst(%dma_wait3A_524 : memref<32x1024xf32, #tpu.memory_space<vmem>>)
    %add3A_530 = arith.constant 320 : i32
    %add3A_531 = arith.addi %mul3A_2, %add3A_530 : i32
    %dma_start3A_532 = arith.constant 1 : i32
    %dma_start3A_533 = arith.constant 0 : i32
    %dma_start3A_534 = arith.constant 0 : i32
    %dma_start3A_535 = tpu.memref_slice %arg6[%dma_start3A_532, %dma_start3A_533, %dma_start3A_534] : memref<3x32x1024xf32, #tpu.memory_space<vmem>> -> memref<1x32x1024xf32, #tpu.memory_space<vmem>>
    %dma_start3A_536 = tpu.memref_squeeze %dma_start3A_535 : memref<1x32x1024xf32, #tpu.memory_space<vmem>> -> memref<32x1024xf32, #tpu.memory_space<vmem>>
    %dma_start3A_537 = arith.constant 0 : i32
    %dma_start3A_538 = tpu.memref_slice %arg4[%add3A_531, %dma_start3A_537] : memref<16384x1024xf32, #tpu.memory_space<hbm>> -> memref<32x1024xf32, #tpu.memory_space<hbm>>
    %dma_start3A_539 = arith.constant 0 : i32
    %dma_start3A_540 = tpu.memref_slice %arg4[%add3A_531, %dma_start3A_539] : memref<16384x1024xf32, #tpu.memory_space<hbm>> -> memref<32x1024xf32, #tpu.memory_space<hbm>>
    %dma_start3A_541 = arith.constant 0 : i32
    %dma_start3A_542 = arith.constant 0 : i32
    %dma_start3A_543 = tpu.memref_slice %arg6[%dma_start3A_532, %dma_start3A_541, %dma_start3A_542] : memref<3x32x1024xf32, #tpu.memory_space<vmem>> -> memref<1x32x1024xf32, #tpu.memory_space<vmem>>
    %dma_start3A_544 = tpu.memref_squeeze %dma_start3A_543 : memref<1x32x1024xf32, #tpu.memory_space<vmem>> -> memref<32x1024xf32, #tpu.memory_space<vmem>>
    tpu.enqueue_dma source(%dma_start3A_544 : memref<32x1024xf32, #tpu.memory_space<vmem>>) target(%dma_start3A_540 : memref<32x1024xf32, #tpu.memory_space<hbm>>) target_semaphore(%arg8 : memref<!tpu.dma_semaphore, #tpu.memory_space<semaphore_mem>>)
    %dma_wait3A_545 = arith.constant 0 : i32
    %dma_wait3A_546 = arith.constant 0 : i32
    %dma_wait3A_547 = arith.constant 0 : i32
    %dma_wait3A_548 = tpu.memref_slice %arg6[%dma_wait3A_545, %dma_wait3A_546, %dma_wait3A_547] : memref<3x32x1024xf32, #tpu.memory_space<vmem>> -> memref<1x32x1024xf32, #tpu.memory_space<vmem>>
    %dma_wait3A_549 = tpu.memref_squeeze %dma_wait3A_548 : memref<1x32x1024xf32, #tpu.memory_space<vmem>> -> memref<32x1024xf32, #tpu.memory_space<vmem>>
    %dma_wait3A_550 = arith.constant 0 : i32
    %dma_wait3A_551 = tpu.memref_slice %arg4[%add3A_483, %dma_wait3A_550] : memref<16384x1024xf32, #tpu.memory_space<hbm>> -> memref<32x1024xf32, #tpu.memory_space<hbm>>
    %dma_wait3A_552 = arith.constant 0 : i32
    %dma_wait3A_553 = tpu.memref_slice %arg4[%add3A_483, %dma_wait3A_552] : memref<16384x1024xf32, #tpu.memory_space<hbm>> -> memref<32x1024xf32, #tpu.memory_space<hbm>>
    %dma_wait3A_554 = arith.constant 0 : i32
    %dma_wait3A_555 = arith.constant 0 : i32
    %dma_wait3A_556 = tpu.memref_slice %arg6[%dma_wait3A_545, %dma_wait3A_554, %dma_wait3A_555] : memref<3x32x1024xf32, #tpu.memory_space<vmem>> -> memref<1x32x1024xf32, #tpu.memory_space<vmem>>
    %dma_wait3A_557 = tpu.memref_squeeze %dma_wait3A_556 : memref<1x32x1024xf32, #tpu.memory_space<vmem>> -> memref<32x1024xf32, #tpu.memory_space<vmem>>
    tpu.wait_dma2 semaphore(%arg8 : memref<!tpu.dma_semaphore, #tpu.memory_space<semaphore_mem>>) src(%dma_wait3A_557 : memref<32x1024xf32, #tpu.memory_space<vmem>>) dst(%dma_wait3A_553 : memref<32x1024xf32, #tpu.memory_space<hbm>>)
    %dma_start3A_558 = arith.constant 0 : i32
    %dma_start3A_559 = arith.constant 0 : i32
    %dma_start3A_560 = arith.constant 0 : i32
    %dma_start3A_561 = tpu.memref_slice %arg6[%dma_start3A_558, %dma_start3A_559, %dma_start3A_560] : memref<3x32x1024xf32, #tpu.memory_space<vmem>> -> memref<1x32x1024xf32, #tpu.memory_space<vmem>>
    %dma_start3A_562 = tpu.memref_squeeze %dma_start3A_561 : memref<1x32x1024xf32, #tpu.memory_space<vmem>> -> memref<32x1024xf32, #tpu.memory_space<vmem>>
    %dma_start3A_563 = arith.constant 384 : i32
    %dma_start3A_564 = tpu.memref_slice %arg5[%dma_start3A_563] : memref<512xi32, #tpu.memory_space<vmem>> -> memref<32xi32, #tpu.memory_space<vmem>>
    %dma_start3A_565 = arith.constant 0 : i32
    %dma_start3A_566 = arith.constant 0 : i32
    %dma_start3A_567 = tpu.memref_slice %arg3[%dma_start3A_565, %dma_start3A_566] : memref<8192x1024xf32, #tpu.memory_space<hbm>> -> memref<8192x1024xf32, #tpu.memory_space<hbm>>
    tpu.enqueue_indirect_dma source(%dma_start3A_567 : memref<8192x1024xf32, #tpu.memory_space<hbm>>) target(%dma_start3A_562 : memref<32x1024xf32, #tpu.memory_space<vmem>>) offsets(%dma_start3A_564 : memref<32xi32, #tpu.memory_space<vmem>>) semaphore(%arg7 : memref<!tpu.dma_semaphore, #tpu.memory_space<semaphore_mem>>)
    %dma_wait3A_568 = arith.constant 2 : i32
    %dma_wait3A_569 = arith.constant 0 : i32
    %dma_wait3A_570 = arith.constant 0 : i32
    %dma_wait3A_571 = tpu.memref_slice %arg6[%dma_wait3A_568, %dma_wait3A_569, %dma_wait3A_570] : memref<3x32x1024xf32, #tpu.memory_space<vmem>> -> memref<1x32x1024xf32, #tpu.memory_space<vmem>>
    %dma_wait3A_572 = tpu.memref_squeeze %dma_wait3A_571 : memref<1x32x1024xf32, #tpu.memory_space<vmem>> -> memref<32x1024xf32, #tpu.memory_space<vmem>>
    %dma_wait3A_573 = arith.constant 352 : i32
    %dma_wait3A_574 = tpu.memref_slice %arg5[%dma_wait3A_573] : memref<512xi32, #tpu.memory_space<vmem>> -> memref<32xi32, #tpu.memory_space<vmem>>
    %dma_wait3A_575 = arith.constant 0 : i32
    %dma_wait3A_576 = arith.constant 0 : i32
    %dma_wait3A_577 = tpu.memref_slice %arg3[%dma_wait3A_575, %dma_wait3A_576] : memref<8192x1024xf32, #tpu.memory_space<hbm>> -> memref<8192x1024xf32, #tpu.memory_space<hbm>>
    tpu.wait_indirect_dma semaphore(%arg7 : memref<!tpu.dma_semaphore, #tpu.memory_space<semaphore_mem>>) src(%dma_wait3A_577 : memref<8192x1024xf32, #tpu.memory_space<hbm>>) dst(%dma_wait3A_572 : memref<32x1024xf32, #tpu.memory_space<vmem>>)
    %add3A_578 = arith.constant 352 : i32
    %add3A_579 = arith.addi %mul3A_2, %add3A_578 : i32
    %dma_start3A_580 = arith.constant 2 : i32
    %dma_start3A_581 = arith.constant 0 : i32
    %dma_start3A_582 = arith.constant 0 : i32
    %dma_start3A_583 = tpu.memref_slice %arg6[%dma_start3A_580, %dma_start3A_581, %dma_start3A_582] : memref<3x32x1024xf32, #tpu.memory_space<vmem>> -> memref<1x32x1024xf32, #tpu.memory_space<vmem>>
    %dma_start3A_584 = tpu.memref_squeeze %dma_start3A_583 : memref<1x32x1024xf32, #tpu.memory_space<vmem>> -> memref<32x1024xf32, #tpu.memory_space<vmem>>
    %dma_start3A_585 = arith.constant 0 : i32
    %dma_start3A_586 = tpu.memref_slice %arg4[%add3A_579, %dma_start3A_585] : memref<16384x1024xf32, #tpu.memory_space<hbm>> -> memref<32x1024xf32, #tpu.memory_space<hbm>>
    %dma_start3A_587 = arith.constant 0 : i32
    %dma_start3A_588 = tpu.memref_slice %arg4[%add3A_579, %dma_start3A_587] : memref<16384x1024xf32, #tpu.memory_space<hbm>> -> memref<32x1024xf32, #tpu.memory_space<hbm>>
    %dma_start3A_589 = arith.constant 0 : i32
    %dma_start3A_590 = arith.constant 0 : i32
    %dma_start3A_591 = tpu.memref_slice %arg6[%dma_start3A_580, %dma_start3A_589, %dma_start3A_590] : memref<3x32x1024xf32, #tpu.memory_space<vmem>> -> memref<1x32x1024xf32, #tpu.memory_space<vmem>>
    %dma_start3A_592 = tpu.memref_squeeze %dma_start3A_591 : memref<1x32x1024xf32, #tpu.memory_space<vmem>> -> memref<32x1024xf32, #tpu.memory_space<vmem>>
    tpu.enqueue_dma source(%dma_start3A_592 : memref<32x1024xf32, #tpu.memory_space<vmem>>) target(%dma_start3A_588 : memref<32x1024xf32, #tpu.memory_space<hbm>>) target_semaphore(%arg8 : memref<!tpu.dma_semaphore, #tpu.memory_space<semaphore_mem>>)
    %dma_wait3A_593 = arith.constant 1 : i32
    %dma_wait3A_594 = arith.constant 0 : i32
    %dma_wait3A_595 = arith.constant 0 : i32
    %dma_wait3A_596 = tpu.memref_slice %arg6[%dma_wait3A_593, %dma_wait3A_594, %dma_wait3A_595] : memref<3x32x1024xf32, #tpu.memory_space<vmem>> -> memref<1x32x1024xf32, #tpu.memory_space<vmem>>
    %dma_wait3A_597 = tpu.memref_squeeze %dma_wait3A_596 : memref<1x32x1024xf32, #tpu.memory_space<vmem>> -> memref<32x1024xf32, #tpu.memory_space<vmem>>
    %dma_wait3A_598 = arith.constant 0 : i32
    %dma_wait3A_599 = tpu.memref_slice %arg4[%add3A_531, %dma_wait3A_598] : memref<16384x1024xf32, #tpu.memory_space<hbm>> -> memref<32x1024xf32, #tpu.memory_space<hbm>>
    %dma_wait3A_600 = arith.constant 0 : i32
    %dma_wait3A_601 = tpu.memref_slice %arg4[%add3A_531, %dma_wait3A_600] : memref<16384x1024xf32, #tpu.memory_space<hbm>> -> memref<32x1024xf32, #tpu.memory_space<hbm>>
    %dma_wait3A_602 = arith.constant 0 : i32
    %dma_wait3A_603 = arith.constant 0 : i32
    %dma_wait3A_604 = tpu.memref_slice %arg6[%dma_wait3A_593, %dma_wait3A_602, %dma_wait3A_603] : memref<3x32x1024xf32, #tpu.memory_space<vmem>> -> memref<1x32x1024xf32, #tpu.memory_space<vmem>>
    %dma_wait3A_605 = tpu.memref_squeeze %dma_wait3A_604 : memref<1x32x1024xf32, #tpu.memory_space<vmem>> -> memref<32x1024xf32, #tpu.memory_space<vmem>>
    tpu.wait_dma2 semaphore(%arg8 : memref<!tpu.dma_semaphore, #tpu.memory_space<semaphore_mem>>) src(%dma_wait3A_605 : memref<32x1024xf32, #tpu.memory_space<vmem>>) dst(%dma_wait3A_601 : memref<32x1024xf32, #tpu.memory_space<hbm>>)
    %dma_start3A_606 = arith.constant 1 : i32
    %dma_start3A_607 = arith.constant 0 : i32
    %dma_start3A_608 = arith.constant 0 : i32
    %dma_start3A_609 = tpu.memref_slice %arg6[%dma_start3A_606, %dma_start3A_607, %dma_start3A_608] : memref<3x32x1024xf32, #tpu.memory_space<vmem>> -> memref<1x32x1024xf32, #tpu.memory_space<vmem>>
    %dma_start3A_610 = tpu.memref_squeeze %dma_start3A_609 : memref<1x32x1024xf32, #tpu.memory_space<vmem>> -> memref<32x1024xf32, #tpu.memory_space<vmem>>
    %dma_start3A_611 = arith.constant 416 : i32
    %dma_start3A_612 = tpu.memref_slice %arg5[%dma_start3A_611] : memref<512xi32, #tpu.memory_space<vmem>> -> memref<32xi32, #tpu.memory_space<vmem>>
    %dma_start3A_613 = arith.constant 0 : i32
    %dma_start3A_614 = arith.constant 0 : i32
    %dma_start3A_615 = tpu.memref_slice %arg3[%dma_start3A_613, %dma_start3A_614] : memref<8192x1024xf32, #tpu.memory_space<hbm>> -> memref<8192x1024xf32, #tpu.memory_space<hbm>>
    tpu.enqueue_indirect_dma source(%dma_start3A_615 : memref<8192x1024xf32, #tpu.memory_space<hbm>>) target(%dma_start3A_610 : memref<32x1024xf32, #tpu.memory_space<vmem>>) offsets(%dma_start3A_612 : memref<32xi32, #tpu.memory_space<vmem>>) semaphore(%arg7 : memref<!tpu.dma_semaphore, #tpu.memory_space<semaphore_mem>>)
    %dma_wait3A_616 = arith.constant 0 : i32
    %dma_wait3A_617 = arith.constant 0 : i32
    %dma_wait3A_618 = arith.constant 0 : i32
    %dma_wait3A_619 = tpu.memref_slice %arg6[%dma_wait3A_616, %dma_wait3A_617, %dma_wait3A_618] : memref<3x32x1024xf32, #tpu.memory_space<vmem>> -> memref<1x32x1024xf32, #tpu.memory_space<vmem>>
    %dma_wait3A_620 = tpu.memref_squeeze %dma_wait3A_619 : memref<1x32x1024xf32, #tpu.memory_space<vmem>> -> memref<32x1024xf32, #tpu.memory_space<vmem>>
    %dma_wait3A_621 = arith.constant 384 : i32
    %dma_wait3A_622 = tpu.memref_slice %arg5[%dma_wait3A_621] : memref<512xi32, #tpu.memory_space<vmem>> -> memref<32xi32, #tpu.memory_space<vmem>>
    %dma_wait3A_623 = arith.constant 0 : i32
    %dma_wait3A_624 = arith.constant 0 : i32
    %dma_wait3A_625 = tpu.memref_slice %arg3[%dma_wait3A_623, %dma_wait3A_624] : memref<8192x1024xf32, #tpu.memory_space<hbm>> -> memref<8192x1024xf32, #tpu.memory_space<hbm>>
    tpu.wait_indirect_dma semaphore(%arg7 : memref<!tpu.dma_semaphore, #tpu.memory_space<semaphore_mem>>) src(%dma_wait3A_625 : memref<8192x1024xf32, #tpu.memory_space<hbm>>) dst(%dma_wait3A_620 : memref<32x1024xf32, #tpu.memory_space<vmem>>)
    %add3A_626 = arith.constant 384 : i32
    %add3A_627 = arith.addi %mul3A_2, %add3A_626 : i32
    %dma_start3A_628 = arith.constant 0 : i32
    %dma_start3A_629 = arith.constant 0 : i32
    %dma_start3A_630 = arith.constant 0 : i32
    %dma_start3A_631 = tpu.memref_slice %arg6[%dma_start3A_628, %dma_start3A_629, %dma_start3A_630] : memref<3x32x1024xf32, #tpu.memory_space<vmem>> -> memref<1x32x1024xf32, #tpu.memory_space<vmem>>
    %dma_start3A_632 = tpu.memref_squeeze %dma_start3A_631 : memref<1x32x1024xf32, #tpu.memory_space<vmem>> -> memref<32x1024xf32, #tpu.memory_space<vmem>>
    %dma_start3A_633 = arith.constant 0 : i32
    %dma_start3A_634 = tpu.memref_slice %arg4[%add3A_627, %dma_start3A_633] : memref<16384x1024xf32, #tpu.memory_space<hbm>> -> memref<32x1024xf32, #tpu.memory_space<hbm>>
    %dma_start3A_635 = arith.constant 0 : i32
    %dma_start3A_636 = tpu.memref_slice %arg4[%add3A_627, %dma_start3A_635] : memref<16384x1024xf32, #tpu.memory_space<hbm>> -> memref<32x1024xf32, #tpu.memory_space<hbm>>
    %dma_start3A_637 = arith.constant 0 : i32
    %dma_start3A_638 = arith.constant 0 : i32
    %dma_start3A_639 = tpu.memref_slice %arg6[%dma_start3A_628, %dma_start3A_637, %dma_start3A_638] : memref<3x32x1024xf32, #tpu.memory_space<vmem>> -> memref<1x32x1024xf32, #tpu.memory_space<vmem>>
    %dma_start3A_640 = tpu.memref_squeeze %dma_start3A_639 : memref<1x32x1024xf32, #tpu.memory_space<vmem>> -> memref<32x1024xf32, #tpu.memory_space<vmem>>
    tpu.enqueue_dma source(%dma_start3A_640 : memref<32x1024xf32, #tpu.memory_space<vmem>>) target(%dma_start3A_636 : memref<32x1024xf32, #tpu.memory_space<hbm>>) target_semaphore(%arg8 : memref<!tpu.dma_semaphore, #tpu.memory_space<semaphore_mem>>)
    %dma_wait3A_641 = arith.constant 2 : i32
    %dma_wait3A_642 = arith.constant 0 : i32
    %dma_wait3A_643 = arith.constant 0 : i32
    %dma_wait3A_644 = tpu.memref_slice %arg6[%dma_wait3A_641, %dma_wait3A_642, %dma_wait3A_643] : memref<3x32x1024xf32, #tpu.memory_space<vmem>> -> memref<1x32x1024xf32, #tpu.memory_space<vmem>>
    %dma_wait3A_645 = tpu.memref_squeeze %dma_wait3A_644 : memref<1x32x1024xf32, #tpu.memory_space<vmem>> -> memref<32x1024xf32, #tpu.memory_space<vmem>>
    %dma_wait3A_646 = arith.constant 0 : i32
    %dma_wait3A_647 = tpu.memref_slice %arg4[%add3A_579, %dma_wait3A_646] : memref<16384x1024xf32, #tpu.memory_space<hbm>> -> memref<32x1024xf32, #tpu.memory_space<hbm>>
    %dma_wait3A_648 = arith.constant 0 : i32
    %dma_wait3A_649 = tpu.memref_slice %arg4[%add3A_579, %dma_wait3A_648] : memref<16384x1024xf32, #tpu.memory_space<hbm>> -> memref<32x1024xf32, #tpu.memory_space<hbm>>
    %dma_wait3A_650 = arith.constant 0 : i32
    %dma_wait3A_651 = arith.constant 0 : i32
    %dma_wait3A_652 = tpu.memref_slice %arg6[%dma_wait3A_641, %dma_wait3A_650, %dma_wait3A_651] : memref<3x32x1024xf32, #tpu.memory_space<vmem>> -> memref<1x32x1024xf32, #tpu.memory_space<vmem>>
    %dma_wait3A_653 = tpu.memref_squeeze %dma_wait3A_652 : memref<1x32x1024xf32, #tpu.memory_space<vmem>> -> memref<32x1024xf32, #tpu.memory_space<vmem>>
    tpu.wait_dma2 semaphore(%arg8 : memref<!tpu.dma_semaphore, #tpu.memory_space<semaphore_mem>>) src(%dma_wait3A_653 : memref<32x1024xf32, #tpu.memory_space<vmem>>) dst(%dma_wait3A_649 : memref<32x1024xf32, #tpu.memory_space<hbm>>)
    %dma_start3A_654 = arith.constant 2 : i32
    %dma_start3A_655 = arith.constant 0 : i32
    %dma_start3A_656 = arith.constant 0 : i32
    %dma_start3A_657 = tpu.memref_slice %arg6[%dma_start3A_654, %dma_start3A_655, %dma_start3A_656] : memref<3x32x1024xf32, #tpu.memory_space<vmem>> -> memref<1x32x1024xf32, #tpu.memory_space<vmem>>
    %dma_start3A_658 = tpu.memref_squeeze %dma_start3A_657 : memref<1x32x1024xf32, #tpu.memory_space<vmem>> -> memref<32x1024xf32, #tpu.memory_space<vmem>>
    %dma_start3A_659 = arith.constant 448 : i32
    %dma_start3A_660 = tpu.memref_slice %arg5[%dma_start3A_659] : memref<512xi32, #tpu.memory_space<vmem>> -> memref<32xi32, #tpu.memory_space<vmem>>
    %dma_start3A_661 = arith.constant 0 : i32
    %dma_start3A_662 = arith.constant 0 : i32
    %dma_start3A_663 = tpu.memref_slice %arg3[%dma_start3A_661, %dma_start3A_662] : memref<8192x1024xf32, #tpu.memory_space<hbm>> -> memref<8192x1024xf32, #tpu.memory_space<hbm>>
    tpu.enqueue_indirect_dma source(%dma_start3A_663 : memref<8192x1024xf32, #tpu.memory_space<hbm>>) target(%dma_start3A_658 : memref<32x1024xf32, #tpu.memory_space<vmem>>) offsets(%dma_start3A_660 : memref<32xi32, #tpu.memory_space<vmem>>) semaphore(%arg7 : memref<!tpu.dma_semaphore, #tpu.memory_space<semaphore_mem>>)
    %dma_wait3A_664 = arith.constant 1 : i32
    %dma_wait3A_665 = arith.constant 0 : i32
    %dma_wait3A_666 = arith.constant 0 : i32
    %dma_wait3A_667 = tpu.memref_slice %arg6[%dma_wait3A_664, %dma_wait3A_665, %dma_wait3A_666] : memref<3x32x1024xf32, #tpu.memory_space<vmem>> -> memref<1x32x1024xf32, #tpu.memory_space<vmem>>
    %dma_wait3A_668 = tpu.memref_squeeze %dma_wait3A_667 : memref<1x32x1024xf32, #tpu.memory_space<vmem>> -> memref<32x1024xf32, #tpu.memory_space<vmem>>
    %dma_wait3A_669 = arith.constant 416 : i32
    %dma_wait3A_670 = tpu.memref_slice %arg5[%dma_wait3A_669] : memref<512xi32, #tpu.memory_space<vmem>> -> memref<32xi32, #tpu.memory_space<vmem>>
    %dma_wait3A_671 = arith.constant 0 : i32
    %dma_wait3A_672 = arith.constant 0 : i32
    %dma_wait3A_673 = tpu.memref_slice %arg3[%dma_wait3A_671, %dma_wait3A_672] : memref<8192x1024xf32, #tpu.memory_space<hbm>> -> memref<8192x1024xf32, #tpu.memory_space<hbm>>
    tpu.wait_indirect_dma semaphore(%arg7 : memref<!tpu.dma_semaphore, #tpu.memory_space<semaphore_mem>>) src(%dma_wait3A_673 : memref<8192x1024xf32, #tpu.memory_space<hbm>>) dst(%dma_wait3A_668 : memref<32x1024xf32, #tpu.memory_space<vmem>>)
    %add3A_674 = arith.constant 416 : i32
    %add3A_675 = arith.addi %mul3A_2, %add3A_674 : i32
    %dma_start3A_676 = arith.constant 1 : i32
    %dma_start3A_677 = arith.constant 0 : i32
    %dma_start3A_678 = arith.constant 0 : i32
    %dma_start3A_679 = tpu.memref_slice %arg6[%dma_start3A_676, %dma_start3A_677, %dma_start3A_678] : memref<3x32x1024xf32, #tpu.memory_space<vmem>> -> memref<1x32x1024xf32, #tpu.memory_space<vmem>>
    %dma_start3A_680 = tpu.memref_squeeze %dma_start3A_679 : memref<1x32x1024xf32, #tpu.memory_space<vmem>> -> memref<32x1024xf32, #tpu.memory_space<vmem>>
    %dma_start3A_681 = arith.constant 0 : i32
    %dma_start3A_682 = tpu.memref_slice %arg4[%add3A_675, %dma_start3A_681] : memref<16384x1024xf32, #tpu.memory_space<hbm>> -> memref<32x1024xf32, #tpu.memory_space<hbm>>
    %dma_start3A_683 = arith.constant 0 : i32
    %dma_start3A_684 = tpu.memref_slice %arg4[%add3A_675, %dma_start3A_683] : memref<16384x1024xf32, #tpu.memory_space<hbm>> -> memref<32x1024xf32, #tpu.memory_space<hbm>>
    %dma_start3A_685 = arith.constant 0 : i32
    %dma_start3A_686 = arith.constant 0 : i32
    %dma_start3A_687 = tpu.memref_slice %arg6[%dma_start3A_676, %dma_start3A_685, %dma_start3A_686] : memref<3x32x1024xf32, #tpu.memory_space<vmem>> -> memref<1x32x1024xf32, #tpu.memory_space<vmem>>
    %dma_start3A_688 = tpu.memref_squeeze %dma_start3A_687 : memref<1x32x1024xf32, #tpu.memory_space<vmem>> -> memref<32x1024xf32, #tpu.memory_space<vmem>>
    tpu.enqueue_dma source(%dma_start3A_688 : memref<32x1024xf32, #tpu.memory_space<vmem>>) target(%dma_start3A_684 : memref<32x1024xf32, #tpu.memory_space<hbm>>) target_semaphore(%arg8 : memref<!tpu.dma_semaphore, #tpu.memory_space<semaphore_mem>>)
    %dma_wait3A_689 = arith.constant 0 : i32
    %dma_wait3A_690 = arith.constant 0 : i32
    %dma_wait3A_691 = arith.constant 0 : i32
    %dma_wait3A_692 = tpu.memref_slice %arg6[%dma_wait3A_689, %dma_wait3A_690, %dma_wait3A_691] : memref<3x32x1024xf32, #tpu.memory_space<vmem>> -> memref<1x32x1024xf32, #tpu.memory_space<vmem>>
    %dma_wait3A_693 = tpu.memref_squeeze %dma_wait3A_692 : memref<1x32x1024xf32, #tpu.memory_space<vmem>> -> memref<32x1024xf32, #tpu.memory_space<vmem>>
    %dma_wait3A_694 = arith.constant 0 : i32
    %dma_wait3A_695 = tpu.memref_slice %arg4[%add3A_627, %dma_wait3A_694] : memref<16384x1024xf32, #tpu.memory_space<hbm>> -> memref<32x1024xf32, #tpu.memory_space<hbm>>
    %dma_wait3A_696 = arith.constant 0 : i32
    %dma_wait3A_697 = tpu.memref_slice %arg4[%add3A_627, %dma_wait3A_696] : memref<16384x1024xf32, #tpu.memory_space<hbm>> -> memref<32x1024xf32, #tpu.memory_space<hbm>>
    %dma_wait3A_698 = arith.constant 0 : i32
    %dma_wait3A_699 = arith.constant 0 : i32
    %dma_wait3A_700 = tpu.memref_slice %arg6[%dma_wait3A_689, %dma_wait3A_698, %dma_wait3A_699] : memref<3x32x1024xf32, #tpu.memory_space<vmem>> -> memref<1x32x1024xf32, #tpu.memory_space<vmem>>
    %dma_wait3A_701 = tpu.memref_squeeze %dma_wait3A_700 : memref<1x32x1024xf32, #tpu.memory_space<vmem>> -> memref<32x1024xf32, #tpu.memory_space<vmem>>
    tpu.wait_dma2 semaphore(%arg8 : memref<!tpu.dma_semaphore, #tpu.memory_space<semaphore_mem>>) src(%dma_wait3A_701 : memref<32x1024xf32, #tpu.memory_space<vmem>>) dst(%dma_wait3A_697 : memref<32x1024xf32, #tpu.memory_space<hbm>>)
    %dma_start3A_702 = arith.constant 0 : i32
    %dma_start3A_703 = arith.constant 0 : i32
    %dma_start3A_704 = arith.constant 0 : i32
    %dma_start3A_705 = tpu.memref_slice %arg6[%dma_start3A_702, %dma_start3A_703, %dma_start3A_704] : memref<3x32x1024xf32, #tpu.memory_space<vmem>> -> memref<1x32x1024xf32, #tpu.memory_space<vmem>>
    %dma_start3A_706 = tpu.memref_squeeze %dma_start3A_705 : memref<1x32x1024xf32, #tpu.memory_space<vmem>> -> memref<32x1024xf32, #tpu.memory_space<vmem>>
    %dma_start3A_707 = arith.constant 480 : i32
    %dma_start3A_708 = tpu.memref_slice %arg5[%dma_start3A_707] : memref<512xi32, #tpu.memory_space<vmem>> -> memref<32xi32, #tpu.memory_space<vmem>>
    %dma_start3A_709 = arith.constant 0 : i32
    %dma_start3A_710 = arith.constant 0 : i32
    %dma_start3A_711 = tpu.memref_slice %arg3[%dma_start3A_709, %dma_start3A_710] : memref<8192x1024xf32, #tpu.memory_space<hbm>> -> memref<8192x1024xf32, #tpu.memory_space<hbm>>
    tpu.enqueue_indirect_dma source(%dma_start3A_711 : memref<8192x1024xf32, #tpu.memory_space<hbm>>) target(%dma_start3A_706 : memref<32x1024xf32, #tpu.memory_space<vmem>>) offsets(%dma_start3A_708 : memref<32xi32, #tpu.memory_space<vmem>>) semaphore(%arg7 : memref<!tpu.dma_semaphore, #tpu.memory_space<semaphore_mem>>)
    %dma_wait3A_712 = arith.constant 2 : i32
    %dma_wait3A_713 = arith.constant 0 : i32
    %dma_wait3A_714 = arith.constant 0 : i32
    %dma_wait3A_715 = tpu.memref_slice %arg6[%dma_wait3A_712, %dma_wait3A_713, %dma_wait3A_714] : memref<3x32x1024xf32, #tpu.memory_space<vmem>> -> memref<1x32x1024xf32, #tpu.memory_space<vmem>>
    %dma_wait3A_716 = tpu.memref_squeeze %dma_wait3A_715 : memref<1x32x1024xf32, #tpu.memory_space<vmem>> -> memref<32x1024xf32, #tpu.memory_space<vmem>>
    %dma_wait3A_717 = arith.constant 448 : i32
    %dma_wait3A_718 = tpu.memref_slice %arg5[%dma_wait3A_717] : memref<512xi32, #tpu.memory_space<vmem>> -> memref<32xi32, #tpu.memory_space<vmem>>
    %dma_wait3A_719 = arith.constant 0 : i32
    %dma_wait3A_720 = arith.constant 0 : i32
    %dma_wait3A_721 = tpu.memref_slice %arg3[%dma_wait3A_719, %dma_wait3A_720] : memref<8192x1024xf32, #tpu.memory_space<hbm>> -> memref<8192x1024xf32, #tpu.memory_space<hbm>>
    tpu.wait_indirect_dma semaphore(%arg7 : memref<!tpu.dma_semaphore, #tpu.memory_space<semaphore_mem>>) src(%dma_wait3A_721 : memref<8192x1024xf32, #tpu.memory_space<hbm>>) dst(%dma_wait3A_716 : memref<32x1024xf32, #tpu.memory_space<vmem>>)
    %add3A_722 = arith.constant 448 : i32
    %add3A_723 = arith.addi %mul3A_2, %add3A_722 : i32
    %dma_start3A_724 = arith.constant 2 : i32
    %dma_start3A_725 = arith.constant 0 : i32
    %dma_start3A_726 = arith.constant 0 : i32
    %dma_start3A_727 = tpu.memref_slice %arg6[%dma_start3A_724, %dma_start3A_725, %dma_start3A_726] : memref<3x32x1024xf32, #tpu.memory_space<vmem>> -> memref<1x32x1024xf32, #tpu.memory_space<vmem>>
    %dma_start3A_728 = tpu.memref_squeeze %dma_start3A_727 : memref<1x32x1024xf32, #tpu.memory_space<vmem>> -> memref<32x1024xf32, #tpu.memory_space<vmem>>
    %dma_start3A_729 = arith.constant 0 : i32
    %dma_start3A_730 = tpu.memref_slice %arg4[%add3A_723, %dma_start3A_729] : memref<16384x1024xf32, #tpu.memory_space<hbm>> -> memref<32x1024xf32, #tpu.memory_space<hbm>>
    %dma_start3A_731 = arith.constant 0 : i32
    %dma_start3A_732 = tpu.memref_slice %arg4[%add3A_723, %dma_start3A_731] : memref<16384x1024xf32, #tpu.memory_space<hbm>> -> memref<32x1024xf32, #tpu.memory_space<hbm>>
    %dma_start3A_733 = arith.constant 0 : i32
    %dma_start3A_734 = arith.constant 0 : i32
    %dma_start3A_735 = tpu.memref_slice %arg6[%dma_start3A_724, %dma_start3A_733, %dma_start3A_734] : memref<3x32x1024xf32, #tpu.memory_space<vmem>> -> memref<1x32x1024xf32, #tpu.memory_space<vmem>>
    %dma_start3A_736 = tpu.memref_squeeze %dma_start3A_735 : memref<1x32x1024xf32, #tpu.memory_space<vmem>> -> memref<32x1024xf32, #tpu.memory_space<vmem>>
    tpu.enqueue_dma source(%dma_start3A_736 : memref<32x1024xf32, #tpu.memory_space<vmem>>) target(%dma_start3A_732 : memref<32x1024xf32, #tpu.memory_space<hbm>>) target_semaphore(%arg8 : memref<!tpu.dma_semaphore, #tpu.memory_space<semaphore_mem>>)
    %dma_wait3A_737 = arith.constant 0 : i32
    %dma_wait3A_738 = arith.constant 0 : i32
    %dma_wait3A_739 = arith.constant 0 : i32
    %dma_wait3A_740 = tpu.memref_slice %arg6[%dma_wait3A_737, %dma_wait3A_738, %dma_wait3A_739] : memref<3x32x1024xf32, #tpu.memory_space<vmem>> -> memref<1x32x1024xf32, #tpu.memory_space<vmem>>
    %dma_wait3A_741 = tpu.memref_squeeze %dma_wait3A_740 : memref<1x32x1024xf32, #tpu.memory_space<vmem>> -> memref<32x1024xf32, #tpu.memory_space<vmem>>
    %dma_wait3A_742 = arith.constant 480 : i32
    %dma_wait3A_743 = tpu.memref_slice %arg5[%dma_wait3A_742] : memref<512xi32, #tpu.memory_space<vmem>> -> memref<32xi32, #tpu.memory_space<vmem>>
    %dma_wait3A_744 = arith.constant 0 : i32
    %dma_wait3A_745 = arith.constant 0 : i32
    %dma_wait3A_746 = tpu.memref_slice %arg3[%dma_wait3A_744, %dma_wait3A_745] : memref<8192x1024xf32, #tpu.memory_space<hbm>> -> memref<8192x1024xf32, #tpu.memory_space<hbm>>
    tpu.wait_indirect_dma semaphore(%arg7 : memref<!tpu.dma_semaphore, #tpu.memory_space<semaphore_mem>>) src(%dma_wait3A_746 : memref<8192x1024xf32, #tpu.memory_space<hbm>>) dst(%dma_wait3A_741 : memref<32x1024xf32, #tpu.memory_space<vmem>>)
    %add3A_747 = arith.constant 480 : i32
    %add3A_748 = arith.addi %mul3A_2, %add3A_747 : i32
    %dma_start3A_749 = arith.constant 0 : i32
    %dma_start3A_750 = arith.constant 0 : i32
    %dma_start3A_751 = arith.constant 0 : i32
    %dma_start3A_752 = tpu.memref_slice %arg6[%dma_start3A_749, %dma_start3A_750, %dma_start3A_751] : memref<3x32x1024xf32, #tpu.memory_space<vmem>> -> memref<1x32x1024xf32, #tpu.memory_space<vmem>>
    %dma_start3A_753 = tpu.memref_squeeze %dma_start3A_752 : memref<1x32x1024xf32, #tpu.memory_space<vmem>> -> memref<32x1024xf32, #tpu.memory_space<vmem>>
    %dma_start3A_754 = arith.constant 0 : i32
    %dma_start3A_755 = tpu.memref_slice %arg4[%add3A_748, %dma_start3A_754] : memref<16384x1024xf32, #tpu.memory_space<hbm>> -> memref<32x1024xf32, #tpu.memory_space<hbm>>
    %dma_start3A_756 = arith.constant 0 : i32
    %dma_start3A_757 = tpu.memref_slice %arg4[%add3A_748, %dma_start3A_756] : memref<16384x1024xf32, #tpu.memory_space<hbm>> -> memref<32x1024xf32, #tpu.memory_space<hbm>>
    %dma_start3A_758 = arith.constant 0 : i32
    %dma_start3A_759 = arith.constant 0 : i32
    %dma_start3A_760 = tpu.memref_slice %arg6[%dma_start3A_749, %dma_start3A_758, %dma_start3A_759] : memref<3x32x1024xf32, #tpu.memory_space<vmem>> -> memref<1x32x1024xf32, #tpu.memory_space<vmem>>
    %dma_start3A_761 = tpu.memref_squeeze %dma_start3A_760 : memref<1x32x1024xf32, #tpu.memory_space<vmem>> -> memref<32x1024xf32, #tpu.memory_space<vmem>>
    tpu.enqueue_dma source(%dma_start3A_761 : memref<32x1024xf32, #tpu.memory_space<vmem>>) target(%dma_start3A_757 : memref<32x1024xf32, #tpu.memory_space<hbm>>) target_semaphore(%arg8 : memref<!tpu.dma_semaphore, #tpu.memory_space<semaphore_mem>>)
    %dma_wait3A_762 = arith.constant 1 : i32
    %dma_wait3A_763 = arith.constant 0 : i32
    %dma_wait3A_764 = arith.constant 0 : i32
    %dma_wait3A_765 = tpu.memref_slice %arg6[%dma_wait3A_762, %dma_wait3A_763, %dma_wait3A_764] : memref<3x32x1024xf32, #tpu.memory_space<vmem>> -> memref<1x32x1024xf32, #tpu.memory_space<vmem>>
    %dma_wait3A_766 = tpu.memref_squeeze %dma_wait3A_765 : memref<1x32x1024xf32, #tpu.memory_space<vmem>> -> memref<32x1024xf32, #tpu.memory_space<vmem>>
    %dma_wait3A_767 = arith.constant 0 : i32
    %dma_wait3A_768 = tpu.memref_slice %arg4[%add3A_675, %dma_wait3A_767] : memref<16384x1024xf32, #tpu.memory_space<hbm>> -> memref<32x1024xf32, #tpu.memory_space<hbm>>
    %dma_wait3A_769 = arith.constant 0 : i32
    %dma_wait3A_770 = tpu.memref_slice %arg4[%add3A_675, %dma_wait3A_769] : memref<16384x1024xf32, #tpu.memory_space<hbm>> -> memref<32x1024xf32, #tpu.memory_space<hbm>>
    %dma_wait3A_771 = arith.constant 0 : i32
    %dma_wait3A_772 = arith.constant 0 : i32
    %dma_wait3A_773 = tpu.memref_slice %arg6[%dma_wait3A_762, %dma_wait3A_771, %dma_wait3A_772] : memref<3x32x1024xf32, #tpu.memory_space<vmem>> -> memref<1x32x1024xf32, #tpu.memory_space<vmem>>
    %dma_wait3A_774 = tpu.memref_squeeze %dma_wait3A_773 : memref<1x32x1024xf32, #tpu.memory_space<vmem>> -> memref<32x1024xf32, #tpu.memory_space<vmem>>
    tpu.wait_dma2 semaphore(%arg8 : memref<!tpu.dma_semaphore, #tpu.memory_space<semaphore_mem>>) src(%dma_wait3A_774 : memref<32x1024xf32, #tpu.memory_space<vmem>>) dst(%dma_wait3A_770 : memref<32x1024xf32, #tpu.memory_space<hbm>>)
    %dma_wait3A_775 = arith.constant 2 : i32
    %dma_wait3A_776 = arith.constant 0 : i32
    %dma_wait3A_777 = arith.constant 0 : i32
    %dma_wait3A_778 = tpu.memref_slice %arg6[%dma_wait3A_775, %dma_wait3A_776, %dma_wait3A_777] : memref<3x32x1024xf32, #tpu.memory_space<vmem>> -> memref<1x32x1024xf32, #tpu.memory_space<vmem>>
    %dma_wait3A_779 = tpu.memref_squeeze %dma_wait3A_778 : memref<1x32x1024xf32, #tpu.memory_space<vmem>> -> memref<32x1024xf32, #tpu.memory_space<vmem>>
    %dma_wait3A_780 = arith.constant 0 : i32
    %dma_wait3A_781 = tpu.memref_slice %arg4[%add3A_723, %dma_wait3A_780] : memref<16384x1024xf32, #tpu.memory_space<hbm>> -> memref<32x1024xf32, #tpu.memory_space<hbm>>
    %dma_wait3A_782 = arith.constant 0 : i32
    %dma_wait3A_783 = tpu.memref_slice %arg4[%add3A_723, %dma_wait3A_782] : memref<16384x1024xf32, #tpu.memory_space<hbm>> -> memref<32x1024xf32, #tpu.memory_space<hbm>>
    %dma_wait3A_784 = arith.constant 0 : i32
    %dma_wait3A_785 = arith.constant 0 : i32
    %dma_wait3A_786 = tpu.memref_slice %arg6[%dma_wait3A_775, %dma_wait3A_784, %dma_wait3A_785] : memref<3x32x1024xf32, #tpu.memory_space<vmem>> -> memref<1x32x1024xf32, #tpu.memory_space<vmem>>
    %dma_wait3A_787 = tpu.memref_squeeze %dma_wait3A_786 : memref<1x32x1024xf32, #tpu.memory_space<vmem>> -> memref<32x1024xf32, #tpu.memory_space<vmem>>
    tpu.wait_dma2 semaphore(%arg8 : memref<!tpu.dma_semaphore, #tpu.memory_space<semaphore_mem>>) src(%dma_wait3A_787 : memref<32x1024xf32, #tpu.memory_space<vmem>>) dst(%dma_wait3A_783 : memref<32x1024xf32, #tpu.memory_space<hbm>>)
    %dma_wait3A_788 = arith.constant 0 : i32
    %dma_wait3A_789 = arith.constant 0 : i32
    %dma_wait3A_790 = arith.constant 0 : i32
    %dma_wait3A_791 = tpu.memref_slice %arg6[%dma_wait3A_788, %dma_wait3A_789, %dma_wait3A_790] : memref<3x32x1024xf32, #tpu.memory_space<vmem>> -> memref<1x32x1024xf32, #tpu.memory_space<vmem>>
    %dma_wait3A_792 = tpu.memref_squeeze %dma_wait3A_791 : memref<1x32x1024xf32, #tpu.memory_space<vmem>> -> memref<32x1024xf32, #tpu.memory_space<vmem>>
    %dma_wait3A_793 = arith.constant 0 : i32
    %dma_wait3A_794 = tpu.memref_slice %arg4[%add3A_748, %dma_wait3A_793] : memref<16384x1024xf32, #tpu.memory_space<hbm>> -> memref<32x1024xf32, #tpu.memory_space<hbm>>
    %dma_wait3A_795 = arith.constant 0 : i32
    %dma_wait3A_796 = tpu.memref_slice %arg4[%add3A_748, %dma_wait3A_795] : memref<16384x1024xf32, #tpu.memory_space<hbm>> -> memref<32x1024xf32, #tpu.memory_space<hbm>>
    %dma_wait3A_797 = arith.constant 0 : i32
    %dma_wait3A_798 = arith.constant 0 : i32
    %dma_wait3A_799 = tpu.memref_slice %arg6[%dma_wait3A_788, %dma_wait3A_797, %dma_wait3A_798] : memref<3x32x1024xf32, #tpu.memory_space<vmem>> -> memref<1x32x1024xf32, #tpu.memory_space<vmem>>
    %dma_wait3A_800 = tpu.memref_squeeze %dma_wait3A_799 : memref<1x32x1024xf32, #tpu.memory_space<vmem>> -> memref<32x1024xf32, #tpu.memory_space<vmem>>
    tpu.wait_dma2 semaphore(%arg8 : memref<!tpu.dma_semaphore, #tpu.memory_space<semaphore_mem>>) src(%dma_wait3A_800 : memref<32x1024xf32, #tpu.memory_space<vmem>>) dst(%dma_wait3A_796 : memref<32x1024xf32, #tpu.memory_space<hbm>>)
    return
  }
}

</mosaic_0001>

<sc_bundles>
// kernel: kernel.3.cloned.1.call-start
scs
__scs_entry_jumppad:
0x0: {  	(pc) =	sbr.rel $0x88, $3  }
0x1: {  	(tag) =	ssettag $0x0;
	lr =	simm.s32 $0x1  }
0x2: {  	[smem:$0x3F9F] =	sst lr;
	_ =	strace $0xD0000000  }
0x3: {  	_ = 	snop  }
0x4: {  	_ = 	snop  }
0x5: {  	_ = 	snop  }
0x6: {  	_ = 	snop  }
0x7: {  	_ = 	snop  }
__scs_overlays_trampoline_lowered:
0x8: {  	[smem:$0x3FAE] =	sst s0  }
0x9: {  	[smem:$0x3FAF] =	sst s1  }
0xa: {  	[smem:$0x3FB0] =	sst s2  }
0xb: {  	[smem:$0x3FB1] =	sst s3  }
0xc: {  	[smem:$0x3FB2] =	sst s4  }
0xd: {  	[smem:$0x3FB3] =	sst s5  }
0xe: {  	[smem:$0x3FB4] =	sst s6  }
0xf: {  	[smem:$0x3FB5] =	sst s7  }
0x10: {  	[smem:$0x3FB6] =	sst s8  }
0x11: {  	[smem:$0x3FB7] =	sst s9;
	s0 =	simm.s32 @!p0 $0x0  }
0x12: {  	s1 =	sld [smem:$0x3F9D];
	s0 =	simm.s32 @p0 $0x1  }
0x13: {  	[smem:$0x3FB8] =	sst s0;
	s0 =	simm.s32 @!p1 $0x0  }
0x14: {  	s2 =	sld [smem:$0x3F9C];
	s0 =	simm.s32 @p1 $0x1  }
0x15: {  	[smem:$0x3FB9] =	sst s0;
	s0 =	simm.s32 @!p2 $0x0  }
0x16: {  	s3 =	sld [smem:$0x3FDB];
	s0 =	simm.s32 @p2 $0x1  }
0x17: {  	s4 =	simm.s32 $0x1BF5;
	[smem:$0x3FBB] =	sst s0  }
0x18: {  	s0 =	sld [smem:$0x3F9E];
	_ =	swait.ge [sflag:s4], $0x0  }
0x19: {  	s7 =	sld [smem:$0x3F9F]  }
0x1a: {  	s8 =	sadd.s32 $0xFFFFE003, lr  }
0x1b: {  	s9 =	sadd.s32 $0xFFFFFEF7, lr;
	s5 =	simm.s32 $0xFFFFFFFF;
	p2 =	slt.u32 s8, $0xFFFFF086  }
0x1c: {  	p1 =	slt.u32 s9, $0xF7A;
	s5 =	simm.s32 @!p2 $0x0  }
0x1d: {  	s5 =	simm.s32 @p1 $0x1;
	p0 =	seq.s32 s7, s2  }
0x1e: {  	s7 =	smul.u32 @!p0 $0xF7A, s2;
	p2 =	seq.s32 @!p0 s5, $0x0  }
0x1f: {  	s9 =	smul.u32 $0xF7A, s1;
	s8 =	simm.s32 @!p0 $0x1BF5;
	p2 =	por !p2, p0  }
0x20: {  	[sflag:s8] =	ssyncset.s32 @!p0 $0xFFFFF086;
	s6 =	sadd.s32 @!p0 s3, s7;
	s7 =	simm.s32 @!p0 $0x108  }
0x21: {  	s3 =	sadd.s32 s3, s9;
	s6 =	sadd.s32 @!p0 $0x88, s6;
	s7 =	simm.s32 @p2 $0x1082  }
0x22: {  	[simem:s7], [sflag:s8] =	dma.local @!p0 [hbm:s6], $0xF7A  }
0x23: {  	s9 =	sor.u32 $0xD0000000, s2;
	s6 =	simm.s32 $0x108;
	_ =	swait.ge @!p0 [sflag:s8], $0x0  }
0x24: {  	s3 =	sadd.s32 $0x88, s3;
	s6 =	simm.s32 @!p1 $0x1082;
	[sflag:s4] =	ssyncset.s32 $0xFFFFF086  }
0x25: {  	[simem:s6], [sflag:s4] =	dma.local [hbm:s3], $0xF7A  }
0x26: {  	[smem:$0x3F9F] =	sst s1;
	(tag) =	ssettag s2;
	_ =	strace s9  }
0x27: {  	s1 =	sld [smem:$0x3FAF]  }
0x28: {  	s2 =	sld [smem:$0x3FB0]  }
0x29: {  	s4 =	sld [smem:$0x3FB2]  }
0x2a: {  	p0 =	seq.s32 s5, $0x0;
	s5 =	sld [smem:$0x3FB3]  }
0x2b: {  	s6 =	sld [smem:$0x3FB4]  }
0x2c: {  	s7 =	sld [smem:$0x3FB5]  }
0x2d: {  	s3 =	simm.s32 $0x108;
	s8 =	sld [smem:$0x3FB6]  }
0x2e: {  	s3 =	simm.s32 @!p0 $0x1082;
	s9 =	sld [smem:$0x3FB7]  }
0x2f: {  	lr =	sadd.s32 s0, s3;
	s0 =	sld [smem:$0x3FAE]  }
0x30: {  	s3 =	sld [smem:$0x3FB1]  }
0x31: {  	[smem:$0x3FBA] =	sst s10  }
0x32: {  	s10 =	sld [smem:$0x3FB8];
	_ =	sdelay $0x3  }
0x33: {  	p0 =	seq.s32 s10, $0x1;
	s10 =	sld [smem:$0x3FBA];
	_ =	sdelay $0x3  }
0x34: {  	[smem:$0x3FBA] =	sst s10  }
0x35: {  	s10 =	sld [smem:$0x3FB9];
	_ =	sdelay $0x3  }
0x36: {  	p1 =	seq.s32 s10, $0x1;
	s10 =	sld [smem:$0x3FBA];
	_ =	sdelay $0x3  }
0x37: {  	[smem:$0x3FBA] =	sst s10  }
0x38: {  	s10 =	sld [smem:$0x3FBB]  }
0x39: {  	_ = 	snop;
	(pc) =	sbr.ind lr, $3  }
0x3a: {  	_ = 	snop  }
0x3b: {  	_ = 	snop  }
0x3c: {  	p2 =	seq.s32 s10, $0x1;
	s10 =	sld [smem:$0x3FBA]  }
0x3d: {  	_ =	shalt  }
0x3e: {  	_ =	shalt  }
0x3f: {  	_ =	shalt  }
0x40: {  	_ =	shalt  }
0x41: {  	_ =	shalt  }
0x42: {  	_ =	shalt  }
0x43: {  	_ =	shalt  }
0x44: {  	_ =	shalt  }
0x45: {  	_ =	shalt  }
0x46: {  	_ =	shalt  }
0x47: {  	_ =	shalt  }
0x48: {  	_ =	shalt  }
0x49: {  	_ =	shalt  }
0x4a: {  	_ =	shalt  }
0x4b: {  	_ =	shalt  }
0x4c: {  	_ =	shalt  }
0x4d: {  	_ =	shalt  }
0x4e: {  	_ =	shalt  }
0x4f: {  	_ =	shalt  }
0x50: {  	_ =	shalt  }
0x51: {  	_ =	shalt  }
0x52: {  	_ =	shalt  }
0x53: {  	_ =	shalt  }
0x54: {  	_ =	shalt  }
0x55: {  	_ =	shalt  }
0x56: {  	_ =	shalt  }
0x57: {  	_ =	shalt  }
0x58: {  	_ =	shalt  }
0x59: {  	_ =	shalt  }
0x5a: {  	_ =	shalt  }
0x5b: {  	_ =	shalt  }
0x5c: {  	_ =	shalt  }
0x5d: {  	_ =	shalt  }
0x5e: {  	_ =	shalt  }
0x5f: {  	_ =	shalt  }
0x60: {  	_ =	shalt  }
0x61: {  	_ =	shalt  }
0x62: {  	_ =	shalt  }
0x63: {  	_ =	shalt  }
0x64: {  	_ =	shalt  }
0x65: {  	_ =	shalt  }
0x66: {  	_ =	shalt  }
0x67: {  	_ =	shalt  }
0x68: {  	_ =	shalt  }
0x69: {  	_ =	shalt  }
0x6a: {  	_ =	shalt  }
0x6b: {  	_ =	shalt  }
0x6c: {  	_ =	shalt  }
0x6d: {  	_ =	shalt  }
0x6e: {  	_ =	shalt  }
0x6f: {  	_ =	shalt  }
0x70: {  	_ =	shalt  }
0x71: {  	_ =	shalt  }
0x72: {  	_ =	shalt  }
0x73: {  	_ =	shalt  }
0x74: {  	_ =	shalt  }
0x75: {  	_ =	shalt  }
0x76: {  	_ =	shalt  }
0x77: {  	_ =	shalt  }
0x78: {  	_ =	shalt  }
0x79: {  	_ =	shalt  }
0x7a: {  	_ =	shalt  }
0x7b: {  	_ =	shalt  }
0x7c: {  	_ =	shalt  }
0x7d: {  	_ =	shalt  }
0x7e: {  	_ =	shalt  }
0x7f: {  	_ =	shalt  }
0x80: {  	_ =	shalt  }
0x81: {  	_ =	shalt  }
0x82: {  	_ =	shalt  }
0x83: {  	_ =	shalt  }
0x84: {  	_ =	shalt  }
0x85: {  	_ =	shalt  }
0x86: {  	_ =	shalt  }
0x87: {  	_ =	shalt  }
.Lfunc_end0:
.L_simem_size_0:
called_computation_lowered:
.L_overlay_start_0:
0x88: {  	s2 =	sld [smem:$0x3FD9]  }
0x89: {  	s3 =	sld [smem:$0x3FFE];
	_ =	sdelay $0x1  }
0x8a: {  	s1 =	srdreg.scid  }
0x8b: {  	s0 =	sand.u32 $0x1, s1  }
0x8c: {  	s18 =	sshll.u32 s0, $0xA;
	s2 =	sadd.s32 s3, s2  }
0x8d: {  	s2 =	sadd.s32 s2, s18  }
0x8e: {  	[smem:$0x3FC6] =	sst s2  }
0x8f: {  	_ = 	snop  }
0x90: {  	s2 =	sld [smem:$0x3FC9]  }
0x91: {  	s19 =	sld [smem:$0x3FC8]  }
0x92: {  	s4 =	sld [smem:$0x3FD0];
	(tm) =	ssettm $0x1  }
0x93: {  	s5 =	sld [smem:$0x3FFB];
	_ =	sdelay $0x3  }
0x94: {  	_ =	strace s5  }
0x95: {  	s5 =	sld [smem:$0x3FFC];
	_ =	sdelay $0x3  }
0x96: {  	_ =	strace s5  }
0x97: {  	s5 =	sld [smem:$0x3FFD];
	_ =	sdelay $0x3  }
0x98: {  	_ =	strace s5  }
0x99: {  	_ =	strace $0x8FFFFFFF  }
0x9a: {  	s20 =	sld [smem:$0x3FDB];
	_ =	sdelay $0x1  }
0x9b: {  	s6 =	simm.s32 $_scs_section_size  }
0x9c: {  	s7 =	simm.s32 $_size__tile_overlayer_lowered;
	s8 =	simm.s32 $_tile_overlayer_lowered  }
0x9d: {  	s23 =	simm.s32 $0x1BFF;
	s22 =	sshll.u32 s8, $0x1;
	s5 =	sadd.s32 s6, s20  }
0x9e: {  	s9 =	simm.s32 $0x0;
	s21 =	sshll.u32 s7, $0x1;
	s7 =	sadd.s32 s22, s5  }
0x9f: {  	[timem:s9], [sflag:s23] =	dma.local [hbm:s7], s21  }
0xa0: {  	_ =	swait.ge [sflag:s23], s21  }
0xa1: {  	s6 =	ssub.s32 $0x0, s21;
	[sflag:s23] =	ssyncset.done $0x0  }
0xa2: {  	[sflag:s23] =	ssyncadd.s32 s6;
	_ =	sdelay $0x1  }
0xa3: {  	s24 =	simm.s32 $0x1B8B  }
0xa4: {  	_ =	swait.ge [sflag:s24], $0x1  }
0xa5: {  	[sflag:s24] =	ssyncset.done $0x0  }
0xa6: {  	s25 =	simm.s32 $0x1B8E;
	[sflag:s24] =	ssyncadd.s32 $0xFFFFFFFF  }
0xa7: {  	s26 =	simm.s32 $execute0_lowered;
	[smem:$0x3FD2] =	sst s25  }
0xa8: {  	s6 =	sshll.u32 s26, $0x1;
	_ =	strace $0x80000046;
	[dreg:$0x1] =	wrdreg $0xFFFFFFFF  }
0xa9: {  	s28 =	simm.s32 $_size_execute0_lowered;
	s5 =	sadd.s32 s5, s6;
	[dreg:$0x0] =	wrdreg $0x0  }
0xaa: {  	s6 =	sshll.u32 s28, $0x1;
	[dreg:$0x2] =	wrdreg s5  }
0xab: {  	[dreg:$0x3] =	wrdreg s6  }
0xac: {  	[dreg:$0x4] =	wrdreg $0xC0  }
0xad: {  	_ =	task [dreg:s9], $0x5FFFF  }
0xae: {  	[dreg:$0x1] =	wrdreg $0xFFFFFFFF  }
0xaf: {  	[dreg:$0x0] =	wrdreg $0x60  }
0xb0: {  	[dreg:$0x2] =	wrdreg s2  }
0xb1: {  	[dreg:$0x3] =	wrdreg s19  }
0xb2: {  	[dreg:$0x4] =	wrdreg s4  }
0xb3: {  	[dreg:$0x5] =	wrdreg $0x9  }
0xb4: {  	_ =	task.clear_ibuf [dreg:s9], $0x6FFFF;
	_ =	strace $0x90000046  }
0xb5: {  	s29 =	simm.s32 $0x9;
	_ =	strace $0x80000048  }
0xb6: {  	_ =	swait.ge [sflag:s29], $0x1  }
0xb7: {  	[sflag:s29] =	ssyncadd.s32 $0xFFFFFFFF  }
0xb8: {  	_ =	strace $0x90000048  }
0xb9: {  	_ =	sfence  }
0xba: {  	s30 =	sld [smem:$0x0];
	_ =	sdelay $0x2  }
0xbb: {  	s31 =	sshll.u32 s1, $0xD;
	s1 =	sshrl.u32 s1, $0x2  }
0xbc: {  	s3 =	sand.u32 $0x4000, s31;
	s1 =	sadd.s32 s1, s30  }
0xbd: {  	s0 =	sor.u32 s3, s0;
	s1 =	sshll.u32 s1, $0x11  }
0xbe: {  	s0 =	sor.u32 s1, s0  }
0xbf: {  	s0 =	sadd.s32 $0x8F2B, s0  }
0xc0: {  	[sflag:s0] =	ssyncadd.remote.s32 $0x1  }
0xc1: {  	_ =	sfence.sel $0xFFFF  }
0xc2: {  	[dreg:$0x0] =	wrdreg $0xFFFFFFFF;
	(pc) =	sbr.abs _section_cstart, $3  }
0xc3: {  	[dreg:$0x1] =	wrdreg $0xFFFFFFFF  }
0xc4: {  	_ =	task.clear_ibuf [dreg:s9], $0x2FFFF;
	_ =	strace $0x9FFFFFFF  }
0xc5: {  	(tm) =	ssettm $0x7FFFFFFF  }
tec
execute0_lowered:
.L_overlay_start_1:
0x0: {  	(tag) =	ssettag $0x1  }
0x1: {  	s0 =	rddreg [dreg:$0x0]  }
0x2: {  	s2 =	rddreg [dreg:$0x1]  }
0x3: {  	s1 =	rddreg [dreg:$0x2]  }
0x4: {  	s3 =	srdreg.scid;
	s6 =	stileid.u32  }
0x5: {  	s31 =	simm.s32 $0x80;
	s4 =	sand.u32 $0x1, s3;
	s5 =	sshll.u32 s6, $0x1  }
0x6: {  	s3 =	simm.s32 $0x0;
	s6 =	sshll.u32 s6, $0x2;
	s5 =	sor.u32 s4, s5  }
0x7: {  	[smem:$0x7FF] =	sst s3;
	s6 =	sand.u32 $0x30, s6;
	s7 =	sshll.u32 s5, $0x8  }
0x8: {  	s0 =	sadd.s32 s0, s6;
	s5 =	sshll.u32 s5, $0x10;
	_ =	strace $0x80000047  }
0x9: {  	[dreg:$0x14] =	wrdreg s31;
	s7 =	sand.u32 $0x700, s7;
	s11 =	sadd.s32 s1, s5  }
0xa: {  	s0 =	sadd.s32 s7, s0;
	[dreg:$0x15] =	wrdreg s11  }
0xb: {  	s12 =	sadd.s32 $0x1000, s11;
	[dreg:$0x4] =	wrdreg s0  }
0xc: {  	s13 =	sadd.s32 $0x2000, s11;
	[dreg:$0x5] =	wrdreg s12  }
0xd: {  	s14 =	sadd.s32 $0x3000, s11;
	[dreg:$0x6] =	wrdreg s13  }
0xe: {  	s15 =	sadd.s32 $0x4000, s11;
	[dreg:$0x7] =	wrdreg s14  }
0xf: {  	s16 =	sadd.s32 $0x5000, s11;
	[dreg:$0x8] =	wrdreg s15  }
0x10: {  	s9 =	simm.s32 $0x200;
	s17 =	sadd.s32 $0x6000, s11;
	[dreg:$0x9] =	wrdreg s16  }
0x11: {  	s29 =	simm.s32 $0x1;
	s18 =	sadd.s32 $0x7000, s11;
	[dreg:$0xa] =	wrdreg s17  }
0x12: {  	s30 =	simm.s32 $0x2;
	s19 =	sadd.s32 $0x8000, s11;
	[dreg:$0xb] =	wrdreg s18  }
0x13: {  	s10 =	simm.s32 $0x8200;
	s20 =	sadd.s32 $0x9000, s11;
	[dreg:$0xc] =	wrdreg s19  }
0x14: {  	s23 =	ssub.s32 $0x2, s4;
	s21 =	sadd.s32 $0xA000, s11;
	[dreg:$0xd] =	wrdreg s20  }
0x15: {  	s4 =	sshrl.u32 s23, $0x1;
	s22 =	sadd.s32 $0xB000, s11;
	[dreg:$0xe] =	wrdreg s21  }
0x16: {  	s6 =	sadd.s32 $0x200, s2;
	s24 =	sadd.s32 $0xC000, s11;
	[dreg:$0xf] =	wrdreg s22  }
0x17: {  	s1 =	ssub.s32 s23, s4;
	s25 =	sadd.s32 $0xD000, s11;
	[dreg:$0x10] =	wrdreg s24  }
0x18: {  	v2 =	vlaneseq.u32;
	s5 =	sadd.s32 $0x100, s2;
	s26 =	sadd.s32 $0xE000, s11;
	[dreg:$0x11] =	wrdreg s25  }
0x19: {  	vm0 =	vmmov $0xffff;
	v1 =	vshrl.u32 v2, $0x3;
	s28 =	sadd.s32 $0xF000, s11;
	s7 =	sadd.s32 $0x300, s2;
	[dreg:$0x12] =	wrdreg s26  }
0x1a: {  	v0 =	vand.u32 $0x7, v2;
	v2 =	vor.u32 $0x8, v2;
	v1 =	vmul.u32 $0x8, v1;
	s8 =	smax.u32 s1, $0x1;
	[dreg:$0x13] =	wrdreg s28;
	s21 =	simm.s32 $0x10200  }
.LBB2_1:
0x1b: {  	s31 =	rddreg [dreg:$0x4]  }
0x1c: {  	s0 =	rddreg [dreg:$0x14];
	s18 =	simm.s32 $0x3  }
0x1d: {  	[tilespmem:s3], [sflag:$0x3] =	stream.strided.gather [hbm4b:s31+s0], $0x200, s9, s0, $0x38;
	[tilespmem:$0x18200] =	vst v63  }
0x1e: {  	_ =	swait.ge [sflag:s18], $0x200  }
0x1f: {  	[sflag:s18] =	ssyncset.done $0x0  }
0x20: {  	[sflag:s18] =	ssyncadd.s32 $0xFFFFFE00  }
0x21: {  	v3 =	vld [tilespmem:$0x0];
	_ =	sdelay $0x4  }
0x22: {  	v4 =	vshll.u32 v3, $0x3  }
0x23: {  	v3 =	vand.u32 $0x7, v3;
	v4 =	vand.u32 $0xFFFFFFC0, v4  }
0x24: {  	v3 =	vor.u32 v3, v4  }
0x25: {  	v4 =	vperm.xlane v3, v0;
	_ =	sdelay $0x1  }
0x26: {  	v4 =	vadd.s32 v1, v4;
	_ =	sdelay $0x4  }
0x27: {  	[tilespmem:s9], [sflag:$0x1] =	stream.indirect_vreg.gather [hbm4b:s2+s3], $0x80, v4, vm0, $0xb8;
	[tilespmem:$0x18200] =	vst v63  }
0x28: {  	s19 =	simm.s32 $0xA00;
	v3 =	vperm.xlane v3, v2  }
0x29: {  	[tilespmem:s19], [sflag:$0x1] =	stream.indirect_vreg.gather [hbm4b:s5+s3], $0x80, v4, vm0, $0xb8;
	[tilespmem:$0x18200] =	vst v63  }
0x2a: {  	s20 =	simm.s32 $0x1200;
	v3 =	vadd.s32 v1, v3  }
0x2b: {  	[tilespmem:s20], [sflag:$0x1] =	stream.indirect_vreg.gather [hbm4b:s6+s3], $0x80, v4, vm0, $0xb8;
	[tilespmem:$0x18200] =	vst v63  }
0x2c: {  	s22 =	simm.s32 $0x1A00  }
0x2d: {  	[tilespmem:s22], [sflag:$0x1] =	stream.indirect_vreg.gather [hbm4b:s7+s3], $0x80, v4, vm0, $0xb8;
	[tilespmem:$0x18200] =	vst v63  }
0x2e: {  	s23 =	simm.s32 $0x2200  }
0x2f: {  	[tilespmem:s23], [sflag:$0x1] =	stream.indirect_vreg.gather [hbm4b:s2+s3], $0x80, v3, vm0, $0xb8;
	[tilespmem:$0x18200] =	vst v63  }
0x30: {  	s24 =	simm.s32 $0x2A00  }
0x31: {  	[tilespmem:s24], [sflag:$0x1] =	stream.indirect_vreg.gather [hbm4b:s5+s3], $0x80, v3, vm0, $0xb8;
	[tilespmem:$0x18200] =	vst v63  }
0x32: {  	s25 =	simm.s32 $0x3200  }
0x33: {  	[tilespmem:s25], [sflag:$0x1] =	stream.indirect_vreg.gather [hbm4b:s6+s3], $0x80, v3, vm0, $0xb8;
	[tilespmem:$0x18200] =	vst v63  }
0x34: {  	s28 =	simm.s32 $0x3A00  }
0x35: {  	[tilespmem:s28], [sflag:$0x1] =	stream.indirect_vreg.gather [hbm4b:s7+s3], $0x80, v3, vm0, $0xb8;
	[tilespmem:$0x18200] =	vst v63  }
0x36: {  	v3 =	vld [tilespmem:$0x10];
	_ =	sdelay $0x4  }
0x37: {  	v33 =	vshll.u32 v3, $0x3  }
0x38: {  	v3 =	vand.u32 $0x7, v3;
	v4 =	vand.u32 $0xFFFFFFC0, v33  }
0x39: {  	v3 =	vor.u32 v3, v4  }
0x3a: {  	v4 =	vperm.xlane v3, v0;
	_ =	sdelay $0x1  }
0x3b: {  	v4 =	vadd.s32 v1, v4;
	_ =	sdelay $0x3  }
0x3c: {  	s31 =	simm.s32 $0x4200  }
0x3d: {  	[tilespmem:s31], [sflag:$0x1] =	stream.indirect_vreg.gather [hbm4b:s2+s3], $0x80, v4, vm0, $0xb8;
	[tilespmem:$0x18200] =	vst v63  }
0x3e: {  	s11 =	simm.s32 $0x4A00;
	v3 =	vperm.xlane v3, v2  }
0x3f: {  	[tilespmem:s11], [sflag:$0x1] =	stream.indirect_vreg.gather [hbm4b:s5+s3], $0x80, v4, vm0, $0xb8;
	[tilespmem:$0x18200] =	vst v63  }
0x40: {  	s12 =	simm.s32 $0x5200;
	v3 =	vadd.s32 v1, v3  }
0x41: {  	[tilespmem:s12], [sflag:$0x1] =	stream.indirect_vreg.gather [hbm4b:s6+s3], $0x80, v4, vm0, $0xb8;
	[tilespmem:$0x18200] =	vst v63  }
0x42: {  	s13 =	simm.s32 $0x5A00  }
0x43: {  	[tilespmem:s13], [sflag:$0x1] =	stream.indirect_vreg.gather [hbm4b:s7+s3], $0x80, v4, vm0, $0xb8;
	[tilespmem:$0x18200] =	vst v63  }
0x44: {  	s14 =	simm.s32 $0x6200  }
0x45: {  	[tilespmem:s14], [sflag:$0x1] =	stream.indirect_vreg.gather [hbm4b:s2+s3], $0x80, v3, vm0, $0xb8;
	[tilespmem:$0x18200] =	vst v63  }
0x46: {  	s15 =	simm.s32 $0x6A00  }
0x47: {  	[tilespmem:s15], [sflag:$0x1] =	stream.indirect_vreg.gather [hbm4b:s5+s3], $0x80, v3, vm0, $0xb8;
	[tilespmem:$0x18200] =	vst v63  }
0x48: {  	s20 =	simm.s32 $0x7200  }
0x49: {  	[tilespmem:s20], [sflag:$0x1] =	stream.indirect_vreg.gather [hbm4b:s6+s3], $0x80, v3, vm0, $0xb8;
	[tilespmem:$0x18200] =	vst v63  }
0x4a: {  	s22 =	simm.s32 $0x7A00  }
0x4b: {  	[tilespmem:s22], [sflag:$0x1] =	stream.indirect_vreg.gather [hbm4b:s7+s3], $0x80, v3, vm0, $0xb8;
	[tilespmem:$0x18200] =	vst v63  }
0x4c: {  	v3 =	vld [tilespmem:$0x20];
	_ =	sdelay $0x4  }
0x4d: {  	v34 =	vshll.u32 v3, $0x3  }
0x4e: {  	v3 =	vand.u32 $0x7, v3;
	v4 =	vand.u32 $0xFFFFFFC0, v34  }
0x4f: {  	v3 =	vor.u32 v3, v4  }
0x50: {  	v4 =	vperm.xlane v3, v0;
	_ =	sdelay $0x1  }
0x51: {  	v4 =	vadd.s32 v1, v4;
	_ =	sdelay $0x4  }
0x52: {  	[tilespmem:s10], [sflag:$0x1] =	stream.indirect_vreg.gather [hbm4b:s2+s3], $0x80, v4, vm0, $0xb8;
	[tilespmem:$0x18200] =	vst v63  }
0x53: {  	s23 =	simm.s32 $0x8A00;
	v3 =	vperm.xlane v3, v2  }
0x54: {  	[tilespmem:s23], [sflag:$0x1] =	stream.indirect_vreg.gather [hbm4b:s5+s3], $0x80, v4, vm0, $0xb8;
	[tilespmem:$0x18200] =	vst v63  }
0x55: {  	s28 =	simm.s32 $0x9200;
	v3 =	vadd.s32 v1, v3  }
0x56: {  	[tilespmem:s28], [sflag:$0x1] =	stream.indirect_vreg.gather [hbm4b:s6+s3], $0x80, v4, vm0, $0xb8;
	[tilespmem:$0x18200] =	vst v63  }
0x57: {  	s31 =	simm.s32 $0x9A00  }
0x58: {  	[tilespmem:s31], [sflag:$0x1] =	stream.indirect_vreg.gather [hbm4b:s7+s3], $0x80, v4, vm0, $0xb8;
	[tilespmem:$0x18200] =	vst v63  }
0x59: {  	s23 =	simm.s32 $0xA200  }
0x5a: {  	[tilespmem:s23], [sflag:$0x1] =	stream.indirect_vreg.gather [hbm4b:s2+s3], $0x80, v3, vm0, $0xb8;
	[tilespmem:$0x18200] =	vst v63  }
0x5b: {  	s28 =	simm.s32 $0xAA00  }
0x5c: {  	[tilespmem:s28], [sflag:$0x1] =	stream.indirect_vreg.gather [hbm4b:s5+s3], $0x80, v3, vm0, $0xb8;
	[tilespmem:$0x18200] =	vst v63  }
0x5d: {  	s31 =	simm.s32 $0xB200  }
0x5e: {  	[tilespmem:s31], [sflag:$0x1] =	stream.indirect_vreg.gather [hbm4b:s6+s3], $0x80, v3, vm0, $0xb8;
	[tilespmem:$0x18200] =	vst v63  }
0x5f: {  	s23 =	simm.s32 $0xBA00  }
0x60: {  	[tilespmem:s23], [sflag:$0x1] =	stream.indirect_vreg.gather [hbm4b:s7+s3], $0x80, v3, vm0, $0xb8;
	[tilespmem:$0x18200] =	vst v63  }
0x61: {  	v3 =	vld [tilespmem:$0x30];
	_ =	sdelay $0x4  }
0x62: {  	v35 =	vshll.u32 v3, $0x3  }
0x63: {  	v3 =	vand.u32 $0x7, v3;
	v4 =	vand.u32 $0xFFFFFFC0, v35  }
0x64: {  	v3 =	vor.u32 v3, v4  }
0x65: {  	v4 =	vperm.xlane v3, v0;
	_ =	sdelay $0x1  }
0x66: {  	v4 =	vadd.s32 v1, v4;
	_ =	sdelay $0x3  }
0x67: {  	s28 =	simm.s32 $0xC200  }
0x68: {  	[tilespmem:s28], [sflag:$0x1] =	stream.indirect_vreg.gather [hbm4b:s2+s3], $0x80, v4, vm0, $0xb8;
	[tilespmem:$0x18200] =	vst v63  }
0x69: {  	s31 =	simm.s32 $0xCA00;
	v3 =	vperm.xlane v3, v2  }
0x6a: {  	[tilespmem:s31], [sflag:$0x1] =	stream.indirect_vreg.gather [hbm4b:s5+s3], $0x80, v4, vm0, $0xb8;
	[tilespmem:$0x18200] =	vst v63  }
0x6b: {  	s0 =	simm.s32 $0xD200;
	v3 =	vadd.s32 v1, v3  }
0x6c: {  	[tilespmem:s0], [sflag:$0x1] =	stream.indirect_vreg.gather [hbm4b:s6+s3], $0x80, v4, vm0, $0xb8;
	[tilespmem:$0x18200] =	vst v63  }
0x6d: {  	s0 =	simm.s32 $0xDA00  }
0x6e: {  	[tilespmem:s0], [sflag:$0x1] =	stream.indirect_vreg.gather [hbm4b:s7+s3], $0x80, v4, vm0, $0xb8;
	[tilespmem:$0x18200] =	vst v63  }
0x6f: {  	s0 =	simm.s32 $0xE200  }
0x70: {  	[tilespmem:s0], [sflag:$0x1] =	stream.indirect_vreg.gather [hbm4b:s2+s3], $0x80, v3, vm0, $0xb8;
	[tilespmem:$0x18200] =	vst v63  }
0x71: {  	s0 =	simm.s32 $0xEA00  }
0x72: {  	[tilespmem:s0], [sflag:$0x1] =	stream.indirect_vreg.gather [hbm4b:s5+s3], $0x80, v3, vm0, $0xb8;
	[tilespmem:$0x18200] =	vst v63  }
0x73: {  	s0 =	simm.s32 $0xF200  }
0x74: {  	[tilespmem:s0], [sflag:$0x1] =	stream.indirect_vreg.gather [hbm4b:s6+s3], $0x80, v3, vm0, $0xb8;
	[tilespmem:$0x18200] =	vst v63  }
0x75: {  	s0 =	simm.s32 $0xFA00  }
0x76: {  	[tilespmem:s0], [sflag:$0x1] =	stream.indirect_vreg.gather [hbm4b:s7+s3], $0x80, v3, vm0, $0xb8;
	[tilespmem:$0x18200] =	vst v63  }
0x77: {  	v3 =	vld [tilespmem:$0x40];
	_ =	sdelay $0x4  }
0x78: {  	v36 =	vshll.u32 v3, $0x3  }
0x79: {  	v3 =	vand.u32 $0x7, v3;
	v4 =	vand.u32 $0xFFFFFFC0, v36  }
0x7a: {  	v3 =	vor.u32 v3, v4  }
0x7b: {  	v4 =	vperm.xlane v3, v0;
	_ =	sdelay $0x1  }
0x7c: {  	v4 =	vadd.s32 v1, v4;
	_ =	sdelay $0x4  }
0x7d: {  	[tilespmem:s21], [sflag:$0x1] =	stream.indirect_vreg.gather [hbm4b:s2+s3], $0x80, v4, vm0, $0xb8;
	[tilespmem:$0x18200] =	vst v63  }
0x7e: {  	s0 =	simm.s32 $0x10A00;
	v3 =	vperm.xlane v3, v2  }
0x7f: {  	[tilespmem:s0], [sflag:$0x1] =	stream.indirect_vreg.gather [hbm4b:s5+s3], $0x80, v4, vm0, $0xb8;
	[tilespmem:$0x18200] =	vst v63  }
0x80: {  	v3 =	vadd.s32 v1, v3;
	s0 =	simm.s32 $0x11200  }
0x81: {  	[tilespmem:s0], [sflag:$0x1] =	stream.indirect_vreg.gather [hbm4b:s6+s3], $0x80, v4, vm0, $0xb8;
	[tilespmem:$0x18200] =	vst v63  }
0x82: {  	s0 =	simm.s32 $0x11A00  }
0x83: {  	[tilespmem:s0], [sflag:$0x1] =	stream.indirect_vreg.gather [hbm4b:s7+s3], $0x80, v4, vm0, $0xb8;
	[tilespmem:$0x18200] =	vst v63  }
0x84: {  	s0 =	simm.s32 $0x12200  }
0x85: {  	[tilespmem:s0], [sflag:$0x1] =	stream.indirect_vreg.gather [hbm4b:s2+s3], $0x80, v3, vm0, $0xb8;
	[tilespmem:$0x18200] =	vst v63  }
0x86: {  	s0 =	simm.s32 $0x12A00  }
0x87: {  	[tilespmem:s0], [sflag:$0x1] =	stream.indirect_vreg.gather [hbm4b:s5+s3], $0x80, v3, vm0, $0xb8;
	[tilespmem:$0x18200] =	vst v63  }
0x88: {  	s0 =	simm.s32 $0x13200  }
0x89: {  	[tilespmem:s0], [sflag:$0x1] =	stream.indirect_vreg.gather [hbm4b:s6+s3], $0x80, v3, vm0, $0xb8;
	[tilespmem:$0x18200] =	vst v63  }
0x8a: {  	s0 =	simm.s32 $0x13A00  }
0x8b: {  	[tilespmem:s0], [sflag:$0x1] =	stream.indirect_vreg.gather [hbm4b:s7+s3], $0x80, v3, vm0, $0xb8;
	[tilespmem:$0x18200] =	vst v63  }
0x8c: {  	v3 =	vld [tilespmem:$0x50];
	_ =	sdelay $0x4  }
0x8d: {  	v37 =	vshll.u32 v3, $0x3  }
0x8e: {  	v3 =	vand.u32 $0x7, v3;
	v4 =	vand.u32 $0xFFFFFFC0, v37  }
0x8f: {  	v3 =	vor.u32 v3, v4  }
0x90: {  	v4 =	vperm.xlane v3, v0;
	_ =	sdelay $0x1  }
0x91: {  	v4 =	vadd.s32 v1, v4;
	_ =	sdelay $0x3  }
0x92: {  	s0 =	simm.s32 $0x14200  }
0x93: {  	[tilespmem:s0], [sflag:$0x1] =	stream.indirect_vreg.gather [hbm4b:s2+s3], $0x80, v4, vm0, $0xb8;
	[tilespmem:$0x18200] =	vst v63  }
0x94: {  	v3 =	vperm.xlane v3, v2;
	s0 =	simm.s32 $0x14A00  }
0x95: {  	[tilespmem:s0], [sflag:$0x1] =	stream.indirect_vreg.gather [hbm4b:s5+s3], $0x80, v4, vm0, $0xb8;
	[tilespmem:$0x18200] =	vst v63  }
0x96: {  	v3 =	vadd.s32 v1, v3;
	s0 =	simm.s32 $0x15200  }
0x97: {  	[tilespmem:s0], [sflag:$0x1] =	stream.indirect_vreg.gather [hbm4b:s6+s3], $0x80, v4, vm0, $0xb8;
	[tilespmem:$0x18200] =	vst v63  }
0x98: {  	s0 =	simm.s32 $0x15A00  }
0x99: {  	[tilespmem:s0], [sflag:$0x1] =	stream.indirect_vreg.gather [hbm4b:s7+s3], $0x80, v4, vm0, $0xb8;
	[tilespmem:$0x18200] =	vst v63  }
0x9a: {  	s0 =	simm.s32 $0x16200  }
0x9b: {  	[tilespmem:s0], [sflag:$0x1] =	stream.indirect_vreg.gather [hbm4b:s2+s3], $0x80, v3, vm0, $0xb8;
	[tilespmem:$0x18200] =	vst v63  }
0x9c: {  	s0 =	simm.s32 $0x16A00  }
0x9d: {  	[tilespmem:s0], [sflag:$0x1] =	stream.indirect_vreg.gather [hbm4b:s5+s3], $0x80, v3, vm0, $0xb8;
	[tilespmem:$0x18200] =	vst v63  }
0x9e: {  	s0 =	simm.s32 $0x17200  }
0x9f: {  	[tilespmem:s0], [sflag:$0x1] =	stream.indirect_vreg.gather [hbm4b:s6+s3], $0x80, v3, vm0, $0xb8;
	[tilespmem:$0x18200] =	vst v63  }
0xa0: {  	s0 =	simm.s32 $0x17A00  }
0xa1: {  	[tilespmem:s0], [sflag:$0x1] =	stream.indirect_vreg.gather [hbm4b:s7+s3], $0x80, v3, vm0, $0xb8;
	[tilespmem:$0x18200] =	vst v63  }
0xa2: {  	_ =	swait.ge [sflag:s29], $0x8000  }
0xa3: {  	[sflag:s29] =	ssyncset.done $0x0  }
0xa4: {  	s0 =	rddreg [dreg:$0x15];
	[sflag:s29] =	ssyncadd.s32 $0xFFFF8000  }
0xa5: {  	[hbm4b:s0+s3] =	stream.linear.scatter [tilespmem:s9], [sflag:$0x2], $0x8000, $0x38;
	[tilespmem:$0x18200] =	vst v63  }
0xa6: {  	_ =	swait.ge [sflag:s29], $0x8000  }
0xa7: {  	[sflag:s29] =	ssyncset.done $0x0  }
0xa8: {  	s0 =	rddreg [dreg:$0x5];
	[sflag:s29] =	ssyncadd.s32 $0xFFFF8000  }
0xa9: {  	[hbm4b:s0+s3] =	stream.linear.scatter [tilespmem:s10], [sflag:$0x2], $0x8000, $0x38;
	[tilespmem:$0x18200] =	vst v63  }
0xaa: {  	_ =	swait.ge [sflag:s30], $0x8000  }
0xab: {  	[sflag:s30] =	ssyncset.done $0x0  }
0xac: {  	[sflag:s30] =	ssyncadd.s32 $0xFFFF8000  }
0xad: {  	v3 =	vld [tilespmem:$0x60];
	_ =	sdelay $0x4  }
0xae: {  	v38 =	vshll.u32 v3, $0x3  }
0xaf: {  	v3 =	vand.u32 $0x7, v3;
	v4 =	vand.u32 $0xFFFFFFC0, v38  }
0xb0: {  	v3 =	vor.u32 v3, v4  }
0xb1: {  	v4 =	vperm.xlane v3, v0;
	_ =	sdelay $0x1  }
0xb2: {  	v4 =	vadd.s32 v1, v4;
	_ =	sdelay $0x4  }
0xb3: {  	[tilespmem:s9], [sflag:$0x1] =	stream.indirect_vreg.gather [hbm4b:s2+s3], $0x80, v4, vm0, $0xb8;
	[tilespmem:$0x18200] =	vst v63  }
0xb4: {  	s16 =	simm.s32 $0xA00;
	v3 =	vperm.xlane v3, v2  }
0xb5: {  	[tilespmem:s16], [sflag:$0x1] =	stream.indirect_vreg.gather [hbm4b:s5+s3], $0x80, v4, vm0, $0xb8;
	[tilespmem:$0x18200] =	vst v63  }
0xb6: {  	s1 =	simm.s32 $0x1200;
	v3 =	vadd.s32 v1, v3  }
0xb7: {  	[tilespmem:s1], [sflag:$0x1] =	stream.indirect_vreg.gather [hbm4b:s6+s3], $0x80, v4, vm0, $0xb8;
	[tilespmem:$0x18200] =	vst v63  }
0xb8: {  	s4 =	simm.s32 $0x1A00  }
0xb9: {  	[tilespmem:s4], [sflag:$0x1] =	stream.indirect_vreg.gather [hbm4b:s7+s3], $0x80, v4, vm0, $0xb8;
	[tilespmem:$0x18200] =	vst v63  }
0xba: {  	s26 =	simm.s32 $0x2200  }
0xbb: {  	[tilespmem:s26], [sflag:$0x1] =	stream.indirect_vreg.gather [hbm4b:s2+s3], $0x80, v3, vm0, $0xb8;
	[tilespmem:$0x18200] =	vst v63  }
0xbc: {  	s24 =	simm.s32 $0x2A00  }
0xbd: {  	[tilespmem:s24], [sflag:$0x1] =	stream.indirect_vreg.gather [hbm4b:s5+s3], $0x80, v3, vm0, $0xb8;
	[tilespmem:$0x18200] =	vst v63  }
0xbe: {  	s25 =	simm.s32 $0x3200  }
0xbf: {  	[tilespmem:s25], [sflag:$0x1] =	stream.indirect_vreg.gather [hbm4b:s6+s3], $0x80, v3, vm0, $0xb8;
	[tilespmem:$0x18200] =	vst v63  }
0xc0: {  	s17 =	simm.s32 $0x3A00  }
0xc1: {  	[tilespmem:s17], [sflag:$0x1] =	stream.indirect_vreg.gather [hbm4b:s7+s3], $0x80, v3, vm0, $0xb8;
	[tilespmem:$0x18200] =	vst v63  }
0xc2: {  	v3 =	vld [tilespmem:$0x70];
	_ =	sdelay $0x4  }
0xc3: {  	v39 =	vshll.u32 v3, $0x3  }
0xc4: {  	v3 =	vand.u32 $0x7, v3;
	v4 =	vand.u32 $0xFFFFFFC0, v39  }
0xc5: {  	v3 =	vor.u32 v3, v4  }
0xc6: {  	v4 =	vperm.xlane v3, v0;
	_ =	sdelay $0x1  }
0xc7: {  	v4 =	vadd.s32 v1, v4;
	_ =	sdelay $0x3  }
0xc8: {  	s18 =	simm.s32 $0x4200  }
0xc9: {  	[tilespmem:s18], [sflag:$0x1] =	stream.indirect_vreg.gather [hbm4b:s2+s3], $0x80, v4, vm0, $0xb8;
	[tilespmem:$0x18200] =	vst v63  }
0xca: {  	s19 =	simm.s32 $0x4A00;
	v3 =	vperm.xlane v3, v2  }
0xcb: {  	[tilespmem:s19], [sflag:$0x1] =	stream.indirect_vreg.gather [hbm4b:s5+s3], $0x80, v4, vm0, $0xb8;
	[tilespmem:$0x18200] =	vst v63  }
0xcc: {  	s11 =	simm.s32 $0x5200;
	v3 =	vadd.s32 v1, v3  }
0xcd: {  	[tilespmem:s11], [sflag:$0x1] =	stream.indirect_vreg.gather [hbm4b:s6+s3], $0x80, v4, vm0, $0xb8;
	[tilespmem:$0x18200] =	vst v63  }
0xce: {  	s12 =	simm.s32 $0x5A00  }
0xcf: {  	[tilespmem:s12], [sflag:$0x1] =	stream.indirect_vreg.gather [hbm4b:s7+s3], $0x80, v4, vm0, $0xb8;
	[tilespmem:$0x18200] =	vst v63  }
0xd0: {  	s13 =	simm.s32 $0x6200  }
0xd1: {  	[tilespmem:s13], [sflag:$0x1] =	stream.indirect_vreg.gather [hbm4b:s2+s3], $0x80, v3, vm0, $0xb8;
	[tilespmem:$0x18200] =	vst v63  }
0xd2: {  	s14 =	simm.s32 $0x6A00  }
0xd3: {  	[tilespmem:s14], [sflag:$0x1] =	stream.indirect_vreg.gather [hbm4b:s5+s3], $0x80, v3, vm0, $0xb8;
	[tilespmem:$0x18200] =	vst v63  }
0xd4: {  	s15 =	simm.s32 $0x7200  }
0xd5: {  	[tilespmem:s15], [sflag:$0x1] =	stream.indirect_vreg.gather [hbm4b:s6+s3], $0x80, v3, vm0, $0xb8;
	[tilespmem:$0x18200] =	vst v63  }
0xd6: {  	s20 =	simm.s32 $0x7A00  }
0xd7: {  	[tilespmem:s20], [sflag:$0x1] =	stream.indirect_vreg.gather [hbm4b:s7+s3], $0x80, v3, vm0, $0xb8;
	[tilespmem:$0x18200] =	vst v63  }
0xd8: {  	_ =	swait.ge [sflag:s29], $0x8000  }
0xd9: {  	[sflag:s29] =	ssyncset.done $0x0  }
0xda: {  	s26 =	rddreg [dreg:$0x6];
	[sflag:s29] =	ssyncadd.s32 $0xFFFF8000  }
0xdb: {  	[hbm4b:s26+s3] =	stream.linear.scatter [tilespmem:s21], [sflag:$0x2], $0x8000, $0x38;
	[tilespmem:$0x18200] =	vst v63  }
0xdc: {  	_ =	swait.ge [sflag:s30], $0x8000  }
0xdd: {  	[sflag:s30] =	ssyncset.done $0x0  }
0xde: {  	[sflag:s30] =	ssyncadd.s32 $0xFFFF8000  }
0xdf: {  	v3 =	vld [tilespmem:$0x80];
	_ =	sdelay $0x4  }
0xe0: {  	v40 =	vshll.u32 v3, $0x3  }
0xe1: {  	v3 =	vand.u32 $0x7, v3;
	v4 =	vand.u32 $0xFFFFFFC0, v40  }
0xe2: {  	v3 =	vor.u32 v3, v4  }
0xe3: {  	v4 =	vperm.xlane v3, v0;
	_ =	sdelay $0x1  }
0xe4: {  	v4 =	vadd.s32 v1, v4;
	_ =	sdelay $0x4  }
0xe5: {  	[tilespmem:s10], [sflag:$0x1] =	stream.indirect_vreg.gather [hbm4b:s2+s3], $0x80, v4, vm0, $0xb8;
	[tilespmem:$0x18200] =	vst v63  }
0xe6: {  	s22 =	simm.s32 $0x8A00;
	v3 =	vperm.xlane v3, v2  }
0xe7: {  	[tilespmem:s22], [sflag:$0x1] =	stream.indirect_vreg.gather [hbm4b:s5+s3], $0x80, v4, vm0, $0xb8;
	[tilespmem:$0x18200] =	vst v63  }
0xe8: {  	v3 =	vadd.s32 v1, v3;
	s22 =	simm.s32 $0x9200  }
0xe9: {  	[tilespmem:s22], [sflag:$0x1] =	stream.indirect_vreg.gather [hbm4b:s6+s3], $0x80, v4, vm0, $0xb8;
	[tilespmem:$0x18200] =	vst v63  }
0xea: {  	s26 =	simm.s32 $0x9A00  }
0xeb: {  	[tilespmem:s26], [sflag:$0x1] =	stream.indirect_vreg.gather [hbm4b:s7+s3], $0x80, v4, vm0, $0xb8;
	[tilespmem:$0x18200] =	vst v63  }
0xec: {  	s22 =	simm.s32 $0xA200  }
0xed: {  	[tilespmem:s22], [sflag:$0x1] =	stream.indirect_vreg.gather [hbm4b:s2+s3], $0x80, v3, vm0, $0xb8;
	[tilespmem:$0x18200] =	vst v63  }
0xee: {  	s26 =	simm.s32 $0xAA00  }
0xef: {  	[tilespmem:s26], [sflag:$0x1] =	stream.indirect_vreg.gather [hbm4b:s5+s3], $0x80, v3, vm0, $0xb8;
	[tilespmem:$0x18200] =	vst v63  }
0xf0: {  	s22 =	simm.s32 $0xB200  }
0xf1: {  	[tilespmem:s22], [sflag:$0x1] =	stream.indirect_vreg.gather [hbm4b:s6+s3], $0x80, v3, vm0, $0xb8;
	[tilespmem:$0x18200] =	vst v63  }
0xf2: {  	s23 =	simm.s32 $0xBA00  }
0xf3: {  	[tilespmem:s23], [sflag:$0x1] =	stream.indirect_vreg.gather [hbm4b:s7+s3], $0x80, v3, vm0, $0xb8;
	[tilespmem:$0x18200] =	vst v63  }
0xf4: {  	v3 =	vld [tilespmem:$0x90];
	_ =	sdelay $0x4  }
0xf5: {  	v41 =	vshll.u32 v3, $0x3  }
0xf6: {  	v3 =	vand.u32 $0x7, v3;
	v4 =	vand.u32 $0xFFFFFFC0, v41  }
0xf7: {  	v3 =	vor.u32 v3, v4  }
0xf8: {  	v4 =	vperm.xlane v3, v0;
	_ =	sdelay $0x1  }
0xf9: {  	v4 =	vadd.s32 v1, v4;
	_ =	sdelay $0x3  }
0xfa: {  	s28 =	simm.s32 $0xC200  }
0xfb: {  	[tilespmem:s28], [sflag:$0x1] =	stream.indirect_vreg.gather [hbm4b:s2+s3], $0x80, v4, vm0, $0xb8;
	[tilespmem:$0x18200] =	vst v63  }
0xfc: {  	s31 =	simm.s32 $0xCA00;
	v3 =	vperm.xlane v3, v2  }
0xfd: {  	[tilespmem:s31], [sflag:$0x1] =	stream.indirect_vreg.gather [hbm4b:s5+s3], $0x80, v4, vm0, $0xb8;
	[tilespmem:$0x18200] =	vst v63  }
0xfe: {  	s26 =	simm.s32 $0xD200;
	v3 =	vadd.s32 v1, v3  }
0xff: {  	[tilespmem:s26], [sflag:$0x1] =	stream.indirect_vreg.gather [hbm4b:s6+s3], $0x80, v4, vm0, $0xb8;
	[tilespmem:$0x18200] =	vst v63  }
0x100: {  	s28 =	simm.s32 $0xDA00  }
0x101: {  	[tilespmem:s28], [sflag:$0x1] =	stream.indirect_vreg.gather [hbm4b:s7+s3], $0x80, v4, vm0, $0xb8;
	[tilespmem:$0x18200] =	vst v63  }
0x102: {  	s31 =	simm.s32 $0xE200  }
0x103: {  	[tilespmem:s31], [sflag:$0x1] =	stream.indirect_vreg.gather [hbm4b:s2+s3], $0x80, v3, vm0, $0xb8;
	[tilespmem:$0x18200] =	vst v63  }
0x104: {  	s22 =	simm.s32 $0xEA00  }
0x105: {  	[tilespmem:s22], [sflag:$0x1] =	stream.indirect_vreg.gather [hbm4b:s5+s3], $0x80, v3, vm0, $0xb8;
	[tilespmem:$0x18200] =	vst v63  }
0x106: {  	s23 =	simm.s32 $0xF200  }
0x107: {  	[tilespmem:s23], [sflag:$0x1] =	stream.indirect_vreg.gather [hbm4b:s6+s3], $0x80, v3, vm0, $0xb8;
	[tilespmem:$0x18200] =	vst v63  }
0x108: {  	s26 =	simm.s32 $0xFA00  }
0x109: {  	[tilespmem:s26], [sflag:$0x1] =	stream.indirect_vreg.gather [hbm4b:s7+s3], $0x80, v3, vm0, $0xb8;
	[tilespmem:$0x18200] =	vst v63  }
0x10a: {  	_ =	swait.ge [sflag:s29], $0x8000  }
0x10b: {  	[sflag:s29] =	ssyncset.done $0x0  }
0x10c: {  	s28 =	rddreg [dreg:$0x7];
	[sflag:s29] =	ssyncadd.s32 $0xFFFF8000  }
0x10d: {  	[hbm4b:s28+s3] =	stream.linear.scatter [tilespmem:s9], [sflag:$0x2], $0x8000, $0x38;
	[tilespmem:$0x18200] =	vst v63  }
0x10e: {  	_ =	swait.ge [sflag:s30], $0x8000  }
0x10f: {  	[sflag:s30] =	ssyncset.done $0x0  }
0x110: {  	[sflag:s30] =	ssyncadd.s32 $0xFFFF8000  }
0x111: {  	v3 =	vld [tilespmem:$0xA0];
	_ =	sdelay $0x4  }
0x112: {  	v42 =	vshll.u32 v3, $0x3  }
0x113: {  	v3 =	vand.u32 $0x7, v3;
	v4 =	vand.u32 $0xFFFFFFC0, v42  }
0x114: {  	v3 =	vor.u32 v3, v4  }
0x115: {  	v4 =	vperm.xlane v3, v0;
	_ =	sdelay $0x1  }
0x116: {  	v4 =	vadd.s32 v1, v4;
	_ =	sdelay $0x4  }
0x117: {  	[tilespmem:s21], [sflag:$0x1] =	stream.indirect_vreg.gather [hbm4b:s2+s3], $0x80, v4, vm0, $0xb8;
	[tilespmem:$0x18200] =	vst v63  }
0x118: {  	s31 =	simm.s32 $0x10A00;
	v3 =	vperm.xlane v3, v2  }
0x119: {  	[tilespmem:s31], [sflag:$0x1] =	stream.indirect_vreg.gather [hbm4b:s5+s3], $0x80, v4, vm0, $0xb8;
	[tilespmem:$0x18200] =	vst v63  }
0x11a: {  	s22 =	simm.s32 $0x11200;
	v3 =	vadd.s32 v1, v3  }
0x11b: {  	[tilespmem:s22], [sflag:$0x1] =	stream.indirect_vreg.gather [hbm4b:s6+s3], $0x80, v4, vm0, $0xb8;
	[tilespmem:$0x18200] =	vst v63  }
0x11c: {  	s23 =	simm.s32 $0x11A00  }
0x11d: {  	[tilespmem:s23], [sflag:$0x1] =	stream.indirect_vreg.gather [hbm4b:s7+s3], $0x80, v4, vm0, $0xb8;
	[tilespmem:$0x18200] =	vst v63  }
0x11e: {  	s26 =	simm.s32 $0x12200  }
0x11f: {  	[tilespmem:s26], [sflag:$0x1] =	stream.indirect_vreg.gather [hbm4b:s2+s3], $0x80, v3, vm0, $0xb8;
	[tilespmem:$0x18200] =	vst v63  }
0x120: {  	s28 =	simm.s32 $0x12A00  }
0x121: {  	[tilespmem:s28], [sflag:$0x1] =	stream.indirect_vreg.gather [hbm4b:s5+s3], $0x80, v3, vm0, $0xb8;
	[tilespmem:$0x18200] =	vst v63  }
0x122: {  	s31 =	simm.s32 $0x13200  }
0x123: {  	[tilespmem:s31], [sflag:$0x1] =	stream.indirect_vreg.gather [hbm4b:s6+s3], $0x80, v3, vm0, $0xb8;
	[tilespmem:$0x18200] =	vst v63  }
0x124: {  	s0 =	simm.s32 $0x13A00  }
0x125: {  	[tilespmem:s0], [sflag:$0x1] =	stream.indirect_vreg.gather [hbm4b:s7+s3], $0x80, v3, vm0, $0xb8;
	[tilespmem:$0x18200] =	vst v63  }
0x126: {  	v3 =	vld [tilespmem:$0xB0];
	_ =	sdelay $0x4  }
0x127: {  	v43 =	vshll.u32 v3, $0x3  }
0x128: {  	v3 =	vand.u32 $0x7, v3;
	v4 =	vand.u32 $0xFFFFFFC0, v43  }
0x129: {  	v3 =	vor.u32 v3, v4  }
0x12a: {  	v4 =	vperm.xlane v3, v0;
	_ =	sdelay $0x1  }
0x12b: {  	v4 =	vadd.s32 v1, v4;
	_ =	sdelay $0x3  }
0x12c: {  	s0 =	simm.s32 $0x14200  }
0x12d: {  	[tilespmem:s0], [sflag:$0x1] =	stream.indirect_vreg.gather [hbm4b:s2+s3], $0x80, v4, vm0, $0xb8;
	[tilespmem:$0x18200] =	vst v63  }
0x12e: {  	v3 =	vperm.xlane v3, v2;
	s0 =	simm.s32 $0x14A00  }
0x12f: {  	[tilespmem:s0], [sflag:$0x1] =	stream.indirect_vreg.gather [hbm4b:s5+s3], $0x80, v4, vm0, $0xb8;
	[tilespmem:$0x18200] =	vst v63  }
0x130: {  	v3 =	vadd.s32 v1, v3;
	s0 =	simm.s32 $0x15200  }
0x131: {  	[tilespmem:s0], [sflag:$0x1] =	stream.indirect_vreg.gather [hbm4b:s6+s3], $0x80, v4, vm0, $0xb8;
	[tilespmem:$0x18200] =	vst v63  }
0x132: {  	s0 =	simm.s32 $0x15A00  }
0x133: {  	[tilespmem:s0], [sflag:$0x1] =	stream.indirect_vreg.gather [hbm4b:s7+s3], $0x80, v4, vm0, $0xb8;
	[tilespmem:$0x18200] =	vst v63  }
0x134: {  	s0 =	simm.s32 $0x16200  }
0x135: {  	[tilespmem:s0], [sflag:$0x1] =	stream.indirect_vreg.gather [hbm4b:s2+s3], $0x80, v3, vm0, $0xb8;
	[tilespmem:$0x18200] =	vst v63  }
0x136: {  	s0 =	simm.s32 $0x16A00  }
0x137: {  	[tilespmem:s0], [sflag:$0x1] =	stream.indirect_vreg.gather [hbm4b:s5+s3], $0x80, v3, vm0, $0xb8;
	[tilespmem:$0x18200] =	vst v63  }
0x138: {  	s0 =	simm.s32 $0x17200  }
0x139: {  	[tilespmem:s0], [sflag:$0x1] =	stream.indirect_vreg.gather [hbm4b:s6+s3], $0x80, v3, vm0, $0xb8;
	[tilespmem:$0x18200] =	vst v63  }
0x13a: {  	s0 =	simm.s32 $0x17A00  }
0x13b: {  	[tilespmem:s0], [sflag:$0x1] =	stream.indirect_vreg.gather [hbm4b:s7+s3], $0x80, v3, vm0, $0xb8;
	[tilespmem:$0x18200] =	vst v63  }
0x13c: {  	_ =	swait.ge [sflag:s29], $0x8000  }
0x13d: {  	[sflag:s29] =	ssyncset.done $0x0  }
0x13e: {  	s0 =	rddreg [dreg:$0x8];
	[sflag:s29] =	ssyncadd.s32 $0xFFFF8000  }
0x13f: {  	[hbm4b:s0+s3] =	stream.linear.scatter [tilespmem:s10], [sflag:$0x2], $0x8000, $0x38;
	[tilespmem:$0x18200] =	vst v63  }
0x140: {  	_ =	swait.ge [sflag:s30], $0x8000  }
0x141: {  	[sflag:s30] =	ssyncset.done $0x0  }
0x142: {  	[sflag:s30] =	ssyncadd.s32 $0xFFFF8000  }
0x143: {  	v3 =	vld [tilespmem:$0xC0];
	_ =	sdelay $0x4  }
0x144: {  	v44 =	vshll.u32 v3, $0x3  }
0x145: {  	v3 =	vand.u32 $0x7, v3;
	v4 =	vand.u32 $0xFFFFFFC0, v44  }
0x146: {  	v3 =	vor.u32 v3, v4  }
0x147: {  	v4 =	vperm.xlane v3, v0;
	_ =	sdelay $0x1  }
0x148: {  	v4 =	vadd.s32 v1, v4;
	_ =	sdelay $0x4  }
0x149: {  	[tilespmem:s9], [sflag:$0x1] =	stream.indirect_vreg.gather [hbm4b:s2+s3], $0x80, v4, vm0, $0xb8;
	[tilespmem:$0x18200] =	vst v63  }
0x14a: {  	s0 =	simm.s32 $0xA00;
	v3 =	vperm.xlane v3, v2  }
0x14b: {  	[tilespmem:s0], [sflag:$0x1] =	stream.indirect_vreg.gather [hbm4b:s5+s3], $0x80, v4, vm0, $0xb8;
	[tilespmem:$0x18200] =	vst v63  }
0x14c: {  	s1 =	simm.s32 $0x1200;
	v3 =	vadd.s32 v1, v3  }
0x14d: {  	[tilespmem:s1], [sflag:$0x1] =	stream.indirect_vreg.gather [hbm4b:s6+s3], $0x80, v4, vm0, $0xb8;
	[tilespmem:$0x18200] =	vst v63  }
0x14e: {  	s4 =	simm.s32 $0x1A00  }
0x14f: {  	[tilespmem:s4], [sflag:$0x1] =	stream.indirect_vreg.gather [hbm4b:s7+s3], $0x80, v4, vm0, $0xb8;
	[tilespmem:$0x18200] =	vst v63  }
0x150: {  	s16 =	simm.s32 $0x2200  }
0x151: {  	[tilespmem:s16], [sflag:$0x1] =	stream.indirect_vreg.gather [hbm4b:s2+s3], $0x80, v3, vm0, $0xb8;
	[tilespmem:$0x18200] =	vst v63  }
0x152: {  	s24 =	simm.s32 $0x2A00  }
0x153: {  	[tilespmem:s24], [sflag:$0x1] =	stream.indirect_vreg.gather [hbm4b:s5+s3], $0x80, v3, vm0, $0xb8;
	[tilespmem:$0x18200] =	vst v63  }
0x154: {  	s25 =	simm.s32 $0x3200  }
0x155: {  	[tilespmem:s25], [sflag:$0x1] =	stream.indirect_vreg.gather [hbm4b:s6+s3], $0x80, v3, vm0, $0xb8;
	[tilespmem:$0x18200] =	vst v63  }
0x156: {  	s17 =	simm.s32 $0x3A00  }
0x157: {  	[tilespmem:s17], [sflag:$0x1] =	stream.indirect_vreg.gather [hbm4b:s7+s3], $0x80, v3, vm0, $0xb8;
	[tilespmem:$0x18200] =	vst v63  }
0x158: {  	v3 =	vld [tilespmem:$0xD0];
	_ =	sdelay $0x4  }
0x159: {  	v45 =	vshll.u32 v3, $0x3  }
0x15a: {  	v3 =	vand.u32 $0x7, v3;
	v4 =	vand.u32 $0xFFFFFFC0, v45  }
0x15b: {  	v3 =	vor.u32 v3, v4  }
0x15c: {  	v4 =	vperm.xlane v3, v0;
	_ =	sdelay $0x1  }
0x15d: {  	v4 =	vadd.s32 v1, v4;
	_ =	sdelay $0x3  }
0x15e: {  	s18 =	simm.s32 $0x4200  }
0x15f: {  	[tilespmem:s18], [sflag:$0x1] =	stream.indirect_vreg.gather [hbm4b:s2+s3], $0x80, v4, vm0, $0xb8;
	[tilespmem:$0x18200] =	vst v63  }
0x160: {  	s19 =	simm.s32 $0x4A00;
	v3 =	vperm.xlane v3, v2  }
0x161: {  	[tilespmem:s19], [sflag:$0x1] =	stream.indirect_vreg.gather [hbm4b:s5+s3], $0x80, v4, vm0, $0xb8;
	[tilespmem:$0x18200] =	vst v63  }
0x162: {  	s11 =	simm.s32 $0x5200;
	v3 =	vadd.s32 v1, v3  }
0x163: {  	[tilespmem:s11], [sflag:$0x1] =	stream.indirect_vreg.gather [hbm4b:s6+s3], $0x80, v4, vm0, $0xb8;
	[tilespmem:$0x18200] =	vst v63  }
0x164: {  	s12 =	simm.s32 $0x5A00  }
0x165: {  	[tilespmem:s12], [sflag:$0x1] =	stream.indirect_vreg.gather [hbm4b:s7+s3], $0x80, v4, vm0, $0xb8;
	[tilespmem:$0x18200] =	vst v63  }
0x166: {  	s13 =	simm.s32 $0x6200  }
0x167: {  	[tilespmem:s13], [sflag:$0x1] =	stream.indirect_vreg.gather [hbm4b:s2+s3], $0x80, v3, vm0, $0xb8;
	[tilespmem:$0x18200] =	vst v63  }
0x168: {  	s14 =	simm.s32 $0x6A00  }
0x169: {  	[tilespmem:s14], [sflag:$0x1] =	stream.indirect_vreg.gather [hbm4b:s5+s3], $0x80, v3, vm0, $0xb8;
	[tilespmem:$0x18200] =	vst v63  }
0x16a: {  	s15 =	simm.s32 $0x7200  }
0x16b: {  	[tilespmem:s15], [sflag:$0x1] =	stream.indirect_vreg.gather [hbm4b:s6+s3], $0x80, v3, vm0, $0xb8;
	[tilespmem:$0x18200] =	vst v63  }
0x16c: {  	s20 =	simm.s32 $0x7A00  }
0x16d: {  	[tilespmem:s20], [sflag:$0x1] =	stream.indirect_vreg.gather [hbm4b:s7+s3], $0x80, v3, vm0, $0xb8;
	[tilespmem:$0x18200] =	vst v63  }
0x16e: {  	_ =	swait.ge [sflag:s29], $0x8000  }
0x16f: {  	[sflag:s29] =	ssyncset.done $0x0  }
0x170: {  	s0 =	rddreg [dreg:$0x9];
	[sflag:s29] =	ssyncadd.s32 $0xFFFF8000  }
0x171: {  	[hbm4b:s0+s3] =	stream.linear.scatter [tilespmem:s21], [sflag:$0x2], $0x8000, $0x38;
	[tilespmem:$0x18200] =	vst v63  }
0x172: {  	_ =	swait.ge [sflag:s30], $0x8000  }
0x173: {  	[sflag:s30] =	ssyncset.done $0x0  }
0x174: {  	[sflag:s30] =	ssyncadd.s32 $0xFFFF8000  }
0x175: {  	v3 =	vld [tilespmem:$0xE0];
	_ =	sdelay $0x4  }
0x176: {  	v46 =	vshll.u32 v3, $0x3  }
0x177: {  	v3 =	vand.u32 $0x7, v3;
	v4 =	vand.u32 $0xFFFFFFC0, v46  }
0x178: {  	v3 =	vor.u32 v3, v4  }
0x179: {  	v4 =	vperm.xlane v3, v0;
	_ =	sdelay $0x1  }
0x17a: {  	v4 =	vadd.s32 v1, v4;
	_ =	sdelay $0x4  }
0x17b: {  	[tilespmem:s10], [sflag:$0x1] =	stream.indirect_vreg.gather [hbm4b:s2+s3], $0x80, v4, vm0, $0xb8;
	[tilespmem:$0x18200] =	vst v63  }
0x17c: {  	s0 =	simm.s32 $0x8A00;
	v3 =	vperm.xlane v3, v2  }
0x17d: {  	[tilespmem:s0], [sflag:$0x1] =	stream.indirect_vreg.gather [hbm4b:s5+s3], $0x80, v4, vm0, $0xb8;
	[tilespmem:$0x18200] =	vst v63  }
0x17e: {  	v3 =	vadd.s32 v1, v3;
	s0 =	simm.s32 $0x9200  }
0x17f: {  	[tilespmem:s0], [sflag:$0x1] =	stream.indirect_vreg.gather [hbm4b:s6+s3], $0x80, v4, vm0, $0xb8;
	[tilespmem:$0x18200] =	vst v63  }
0x180: {  	s0 =	simm.s32 $0x9A00  }
0x181: {  	[tilespmem:s0], [sflag:$0x1] =	stream.indirect_vreg.gather [hbm4b:s7+s3], $0x80, v4, vm0, $0xb8;
	[tilespmem:$0x18200] =	vst v63  }
0x182: {  	s0 =	simm.s32 $0xA200  }
0x183: {  	[tilespmem:s0], [sflag:$0x1] =	stream.indirect_vreg.gather [hbm4b:s2+s3], $0x80, v3, vm0, $0xb8;
	[tilespmem:$0x18200] =	vst v63  }
0x184: {  	s0 =	simm.s32 $0xAA00  }
0x185: {  	[tilespmem:s0], [sflag:$0x1] =	stream.indirect_vreg.gather [hbm4b:s5+s3], $0x80, v3, vm0, $0xb8;
	[tilespmem:$0x18200] =	vst v63  }
0x186: {  	s0 =	simm.s32 $0xB200  }
0x187: {  	[tilespmem:s0], [sflag:$0x1] =	stream.indirect_vreg.gather [hbm4b:s6+s3], $0x80, v3, vm0, $0xb8;
	[tilespmem:$0x18200] =	vst v63  }
0x188: {  	s0 =	simm.s32 $0xBA00  }
0x189: {  	[tilespmem:s0], [sflag:$0x1] =	stream.indirect_vreg.gather [hbm4b:s7+s3], $0x80, v3, vm0, $0xb8;
	[tilespmem:$0x18200] =	vst v63  }
0x18a: {  	v3 =	vld [tilespmem:$0xF0];
	_ =	sdelay $0x4  }
0x18b: {  	v47 =	vshll.u32 v3, $0x3  }
0x18c: {  	v3 =	vand.u32 $0x7, v3;
	v4 =	vand.u32 $0xFFFFFFC0, v47  }
0x18d: {  	v3 =	vor.u32 v3, v4  }
0x18e: {  	v4 =	vperm.xlane v3, v0;
	_ =	sdelay $0x1  }
0x18f: {  	v4 =	vadd.s32 v1, v4;
	_ =	sdelay $0x3  }
0x190: {  	s0 =	simm.s32 $0xC200  }
0x191: {  	[tilespmem:s0], [sflag:$0x1] =	stream.indirect_vreg.gather [hbm4b:s2+s3], $0x80, v4, vm0, $0xb8;
	[tilespmem:$0x18200] =	vst v63  }
0x192: {  	v3 =	vperm.xlane v3, v2;
	s0 =	simm.s32 $0xCA00  }
0x193: {  	[tilespmem:s0], [sflag:$0x1] =	stream.indirect_vreg.gather [hbm4b:s5+s3], $0x80, v4, vm0, $0xb8;
	[tilespmem:$0x18200] =	vst v63  }
0x194: {  	v3 =	vadd.s32 v1, v3;
	s0 =	simm.s32 $0xD200  }
0x195: {  	[tilespmem:s0], [sflag:$0x1] =	stream.indirect_vreg.gather [hbm4b:s6+s3], $0x80, v4, vm0, $0xb8;
	[tilespmem:$0x18200] =	vst v63  }
0x196: {  	s0 =	simm.s32 $0xDA00  }
0x197: {  	[tilespmem:s0], [sflag:$0x1] =	stream.indirect_vreg.gather [hbm4b:s7+s3], $0x80, v4, vm0, $0xb8;
	[tilespmem:$0x18200] =	vst v63  }
0x198: {  	s0 =	simm.s32 $0xE200  }
0x199: {  	[tilespmem:s0], [sflag:$0x1] =	stream.indirect_vreg.gather [hbm4b:s2+s3], $0x80, v3, vm0, $0xb8;
	[tilespmem:$0x18200] =	vst v63  }
0x19a: {  	s0 =	simm.s32 $0xEA00  }
0x19b: {  	[tilespmem:s0], [sflag:$0x1] =	stream.indirect_vreg.gather [hbm4b:s5+s3], $0x80, v3, vm0, $0xb8;
	[tilespmem:$0x18200] =	vst v63  }
0x19c: {  	s0 =	simm.s32 $0xF200  }
0x19d: {  	[tilespmem:s0], [sflag:$0x1] =	stream.indirect_vreg.gather [hbm4b:s6+s3], $0x80, v3, vm0, $0xb8;
	[tilespmem:$0x18200] =	vst v63  }
0x19e: {  	s0 =	simm.s32 $0xFA00  }
0x19f: {  	[tilespmem:s0], [sflag:$0x1] =	stream.indirect_vreg.gather [hbm4b:s7+s3], $0x80, v3, vm0, $0xb8;
	[tilespmem:$0x18200] =	vst v63  }
0x1a0: {  	_ =	swait.ge [sflag:s29], $0x8000  }
0x1a1: {  	[sflag:s29] =	ssyncset.done $0x0  }
0x1a2: {  	s0 =	rddreg [dreg:$0xa];
	[sflag:s29] =	ssyncadd.s32 $0xFFFF8000  }
0x1a3: {  	[hbm4b:s0+s3] =	stream.linear.scatter [tilespmem:s9], [sflag:$0x2], $0x8000, $0x38;
	[tilespmem:$0x18200] =	vst v63  }
0x1a4: {  	_ =	swait.ge [sflag:s30], $0x8000  }
0x1a5: {  	[sflag:s30] =	ssyncset.done $0x0  }
0x1a6: {  	[sflag:s30] =	ssyncadd.s32 $0xFFFF8000  }
0x1a7: {  	v3 =	vld [tilespmem:$0x100];
	_ =	sdelay $0x4  }
0x1a8: {  	v48 =	vshll.u32 v3, $0x3  }
0x1a9: {  	v3 =	vand.u32 $0x7, v3;
	v4 =	vand.u32 $0xFFFFFFC0, v48  }
0x1aa: {  	v3 =	vor.u32 v3, v4  }
0x1ab: {  	v4 =	vperm.xlane v3, v0;
	_ =	sdelay $0x1  }
0x1ac: {  	v4 =	vadd.s32 v1, v4;
	_ =	sdelay $0x4  }
0x1ad: {  	[tilespmem:s21], [sflag:$0x1] =	stream.indirect_vreg.gather [hbm4b:s2+s3], $0x80, v4, vm0, $0xb8;
	[tilespmem:$0x18200] =	vst v63  }
0x1ae: {  	s0 =	simm.s32 $0x10A00;
	v3 =	vperm.xlane v3, v2  }
0x1af: {  	[tilespmem:s0], [sflag:$0x1] =	stream.indirect_vreg.gather [hbm4b:s5+s3], $0x80, v4, vm0, $0xb8;
	[tilespmem:$0x18200] =	vst v63  }
0x1b0: {  	s22 =	simm.s32 $0x11200;
	v3 =	vadd.s32 v1, v3  }
0x1b1: {  	[tilespmem:s22], [sflag:$0x1] =	stream.indirect_vreg.gather [hbm4b:s6+s3], $0x80, v4, vm0, $0xb8;
	[tilespmem:$0x18200] =	vst v63  }
0x1b2: {  	s23 =	simm.s32 $0x11A00  }
0x1b3: {  	[tilespmem:s23], [sflag:$0x1] =	stream.indirect_vreg.gather [hbm4b:s7+s3], $0x80, v4, vm0, $0xb8;
	[tilespmem:$0x18200] =	vst v63  }
0x1b4: {  	s26 =	simm.s32 $0x12200  }
0x1b5: {  	[tilespmem:s26], [sflag:$0x1] =	stream.indirect_vreg.gather [hbm4b:s2+s3], $0x80, v3, vm0, $0xb8;
	[tilespmem:$0x18200] =	vst v63  }
0x1b6: {  	s28 =	simm.s32 $0x12A00  }
0x1b7: {  	[tilespmem:s28], [sflag:$0x1] =	stream.indirect_vreg.gather [hbm4b:s5+s3], $0x80, v3, vm0, $0xb8;
	[tilespmem:$0x18200] =	vst v63  }
0x1b8: {  	s31 =	simm.s32 $0x13200  }
0x1b9: {  	[tilespmem:s31], [sflag:$0x1] =	stream.indirect_vreg.gather [hbm4b:s6+s3], $0x80, v3, vm0, $0xb8;
	[tilespmem:$0x18200] =	vst v63  }
0x1ba: {  	s0 =	simm.s32 $0x13A00  }
0x1bb: {  	[tilespmem:s0], [sflag:$0x1] =	stream.indirect_vreg.gather [hbm4b:s7+s3], $0x80, v3, vm0, $0xb8;
	[tilespmem:$0x18200] =	vst v63  }
0x1bc: {  	v3 =	vld [tilespmem:$0x110];
	_ =	sdelay $0x4  }
0x1bd: {  	v49 =	vshll.u32 v3, $0x3  }
0x1be: {  	v3 =	vand.u32 $0x7, v3;
	v4 =	vand.u32 $0xFFFFFFC0, v49  }
0x1bf: {  	v3 =	vor.u32 v3, v4  }
0x1c0: {  	v4 =	vperm.xlane v3, v0;
	_ =	sdelay $0x1  }
0x1c1: {  	v4 =	vadd.s32 v1, v4;
	_ =	sdelay $0x3  }
0x1c2: {  	s0 =	simm.s32 $0x14200  }
0x1c3: {  	[tilespmem:s0], [sflag:$0x1] =	stream.indirect_vreg.gather [hbm4b:s2+s3], $0x80, v4, vm0, $0xb8;
	[tilespmem:$0x18200] =	vst v63  }
0x1c4: {  	v3 =	vperm.xlane v3, v2;
	s0 =	simm.s32 $0x14A00  }
0x1c5: {  	[tilespmem:s0], [sflag:$0x1] =	stream.indirect_vreg.gather [hbm4b:s5+s3], $0x80, v4, vm0, $0xb8;
	[tilespmem:$0x18200] =	vst v63  }
0x1c6: {  	v3 =	vadd.s32 v1, v3;
	s0 =	simm.s32 $0x15200  }
0x1c7: {  	[tilespmem:s0], [sflag:$0x1] =	stream.indirect_vreg.gather [hbm4b:s6+s3], $0x80, v4, vm0, $0xb8;
	[tilespmem:$0x18200] =	vst v63  }
0x1c8: {  	s0 =	simm.s32 $0x15A00  }
0x1c9: {  	[tilespmem:s0], [sflag:$0x1] =	stream.indirect_vreg.gather [hbm4b:s7+s3], $0x80, v4, vm0, $0xb8;
	[tilespmem:$0x18200] =	vst v63  }
0x1ca: {  	s0 =	simm.s32 $0x16200  }
0x1cb: {  	[tilespmem:s0], [sflag:$0x1] =	stream.indirect_vreg.gather [hbm4b:s2+s3], $0x80, v3, vm0, $0xb8;
	[tilespmem:$0x18200] =	vst v63  }
0x1cc: {  	s0 =	simm.s32 $0x16A00  }
0x1cd: {  	[tilespmem:s0], [sflag:$0x1] =	stream.indirect_vreg.gather [hbm4b:s5+s3], $0x80, v3, vm0, $0xb8;
	[tilespmem:$0x18200] =	vst v63  }
0x1ce: {  	s0 =	simm.s32 $0x17200  }
0x1cf: {  	[tilespmem:s0], [sflag:$0x1] =	stream.indirect_vreg.gather [hbm4b:s6+s3], $0x80, v3, vm0, $0xb8;
	[tilespmem:$0x18200] =	vst v63  }
0x1d0: {  	s0 =	simm.s32 $0x17A00  }
0x1d1: {  	[tilespmem:s0], [sflag:$0x1] =	stream.indirect_vreg.gather [hbm4b:s7+s3], $0x80, v3, vm0, $0xb8;
	[tilespmem:$0x18200] =	vst v63  }
0x1d2: {  	_ =	swait.ge [sflag:s29], $0x8000  }
0x1d3: {  	[sflag:s29] =	ssyncset.done $0x0  }
0x1d4: {  	s0 =	rddreg [dreg:$0xb];
	[sflag:s29] =	ssyncadd.s32 $0xFFFF8000  }
0x1d5: {  	[hbm4b:s0+s3] =	stream.linear.scatter [tilespmem:s10], [sflag:$0x2], $0x8000, $0x38;
	[tilespmem:$0x18200] =	vst v63  }
0x1d6: {  	_ =	swait.ge [sflag:s30], $0x8000  }
0x1d7: {  	[sflag:s30] =	ssyncset.done $0x0  }
0x1d8: {  	[sflag:s30] =	ssyncadd.s32 $0xFFFF8000  }
0x1d9: {  	v3 =	vld [tilespmem:$0x120];
	_ =	sdelay $0x4  }
0x1da: {  	v50 =	vshll.u32 v3, $0x3  }
0x1db: {  	v3 =	vand.u32 $0x7, v3;
	v4 =	vand.u32 $0xFFFFFFC0, v50  }
0x1dc: {  	v3 =	vor.u32 v3, v4  }
0x1dd: {  	v4 =	vperm.xlane v3, v0;
	_ =	sdelay $0x1  }
0x1de: {  	v4 =	vadd.s32 v1, v4;
	_ =	sdelay $0x4  }
0x1df: {  	[tilespmem:s9], [sflag:$0x1] =	stream.indirect_vreg.gather [hbm4b:s2+s3], $0x80, v4, vm0, $0xb8;
	[tilespmem:$0x18200] =	vst v63  }
0x1e0: {  	s0 =	simm.s32 $0xA00;
	v3 =	vperm.xlane v3, v2  }
0x1e1: {  	[tilespmem:s0], [sflag:$0x1] =	stream.indirect_vreg.gather [hbm4b:s5+s3], $0x80, v4, vm0, $0xb8;
	[tilespmem:$0x18200] =	vst v63  }
0x1e2: {  	s1 =	simm.s32 $0x1200;
	v3 =	vadd.s32 v1, v3  }
0x1e3: {  	[tilespmem:s1], [sflag:$0x1] =	stream.indirect_vreg.gather [hbm4b:s6+s3], $0x80, v4, vm0, $0xb8;
	[tilespmem:$0x18200] =	vst v63  }
0x1e4: {  	s4 =	simm.s32 $0x1A00  }
0x1e5: {  	[tilespmem:s4], [sflag:$0x1] =	stream.indirect_vreg.gather [hbm4b:s7+s3], $0x80, v4, vm0, $0xb8;
	[tilespmem:$0x18200] =	vst v63  }
0x1e6: {  	s16 =	simm.s32 $0x2200  }
0x1e7: {  	[tilespmem:s16], [sflag:$0x1] =	stream.indirect_vreg.gather [hbm4b:s2+s3], $0x80, v3, vm0, $0xb8;
	[tilespmem:$0x18200] =	vst v63  }
0x1e8: {  	s24 =	simm.s32 $0x2A00  }
0x1e9: {  	[tilespmem:s24], [sflag:$0x1] =	stream.indirect_vreg.gather [hbm4b:s5+s3], $0x80, v3, vm0, $0xb8;
	[tilespmem:$0x18200] =	vst v63  }
0x1ea: {  	s25 =	simm.s32 $0x3200  }
0x1eb: {  	[tilespmem:s25], [sflag:$0x1] =	stream.indirect_vreg.gather [hbm4b:s6+s3], $0x80, v3, vm0, $0xb8;
	[tilespmem:$0x18200] =	vst v63  }
0x1ec: {  	s17 =	simm.s32 $0x3A00  }
0x1ed: {  	[tilespmem:s17], [sflag:$0x1] =	stream.indirect_vreg.gather [hbm4b:s7+s3], $0x80, v3, vm0, $0xb8;
	[tilespmem:$0x18200] =	vst v63  }
0x1ee: {  	v3 =	vld [tilespmem:$0x130];
	_ =	sdelay $0x4  }
0x1ef: {  	v51 =	vshll.u32 v3, $0x3  }
0x1f0: {  	v3 =	vand.u32 $0x7, v3;
	v4 =	vand.u32 $0xFFFFFFC0, v51  }
0x1f1: {  	v3 =	vor.u32 v3, v4  }
0x1f2: {  	v4 =	vperm.xlane v3, v0;
	_ =	sdelay $0x1  }
0x1f3: {  	v4 =	vadd.s32 v1, v4;
	_ =	sdelay $0x3  }
0x1f4: {  	s18 =	simm.s32 $0x4200  }
0x1f5: {  	[tilespmem:s18], [sflag:$0x1] =	stream.indirect_vreg.gather [hbm4b:s2+s3], $0x80, v4, vm0, $0xb8;
	[tilespmem:$0x18200] =	vst v63  }
0x1f6: {  	s19 =	simm.s32 $0x4A00;
	v3 =	vperm.xlane v3, v2  }
0x1f7: {  	[tilespmem:s19], [sflag:$0x1] =	stream.indirect_vreg.gather [hbm4b:s5+s3], $0x80, v4, vm0, $0xb8;
	[tilespmem:$0x18200] =	vst v63  }
0x1f8: {  	s11 =	simm.s32 $0x5200;
	v3 =	vadd.s32 v1, v3  }
0x1f9: {  	[tilespmem:s11], [sflag:$0x1] =	stream.indirect_vreg.gather [hbm4b:s6+s3], $0x80, v4, vm0, $0xb8;
	[tilespmem:$0x18200] =	vst v63  }
0x1fa: {  	s12 =	simm.s32 $0x5A00  }
0x1fb: {  	[tilespmem:s12], [sflag:$0x1] =	stream.indirect_vreg.gather [hbm4b:s7+s3], $0x80, v4, vm0, $0xb8;
	[tilespmem:$0x18200] =	vst v63  }
0x1fc: {  	s13 =	simm.s32 $0x6200  }
0x1fd: {  	[tilespmem:s13], [sflag:$0x1] =	stream.indirect_vreg.gather [hbm4b:s2+s3], $0x80, v3, vm0, $0xb8;
	[tilespmem:$0x18200] =	vst v63  }
0x1fe: {  	s14 =	simm.s32 $0x6A00  }
0x1ff: {  	[tilespmem:s14], [sflag:$0x1] =	stream.indirect_vreg.gather [hbm4b:s5+s3], $0x80, v3, vm0, $0xb8;
	[tilespmem:$0x18200] =	vst v63  }
0x200: {  	s15 =	simm.s32 $0x7200  }
0x201: {  	[tilespmem:s15], [sflag:$0x1] =	stream.indirect_vreg.gather [hbm4b:s6+s3], $0x80, v3, vm0, $0xb8;
	[tilespmem:$0x18200] =	vst v63  }
0x202: {  	s20 =	simm.s32 $0x7A00  }
0x203: {  	[tilespmem:s20], [sflag:$0x1] =	stream.indirect_vreg.gather [hbm4b:s7+s3], $0x80, v3, vm0, $0xb8;
	[tilespmem:$0x18200] =	vst v63  }
0x204: {  	_ =	swait.ge [sflag:s29], $0x8000  }
0x205: {  	[sflag:s29] =	ssyncset.done $0x0  }
0x206: {  	s18 =	rddreg [dreg:$0xc];
	[sflag:s29] =	ssyncadd.s32 $0xFFFF8000  }
0x207: {  	[hbm4b:s18+s3] =	stream.linear.scatter [tilespmem:s21], [sflag:$0x2], $0x8000, $0x38;
	[tilespmem:$0x18200] =	vst v63  }
0x208: {  	_ =	swait.ge [sflag:s30], $0x8000  }
0x209: {  	[sflag:s30] =	ssyncset.done $0x0  }
0x20a: {  	[sflag:s30] =	ssyncadd.s32 $0xFFFF8000  }
0x20b: {  	v3 =	vld [tilespmem:$0x140];
	_ =	sdelay $0x4  }
0x20c: {  	v52 =	vshll.u32 v3, $0x3  }
0x20d: {  	v3 =	vand.u32 $0x7, v3;
	v4 =	vand.u32 $0xFFFFFFC0, v52  }
0x20e: {  	v3 =	vor.u32 v3, v4  }
0x20f: {  	v4 =	vperm.xlane v3, v0;
	_ =	sdelay $0x1  }
0x210: {  	v4 =	vadd.s32 v1, v4;
	_ =	sdelay $0x4  }
0x211: {  	[tilespmem:s10], [sflag:$0x1] =	stream.indirect_vreg.gather [hbm4b:s2+s3], $0x80, v4, vm0, $0xb8;
	[tilespmem:$0x18200] =	vst v63  }
0x212: {  	s19 =	simm.s32 $0x8A00;
	v3 =	vperm.xlane v3, v2  }
0x213: {  	[tilespmem:s19], [sflag:$0x1] =	stream.indirect_vreg.gather [hbm4b:s5+s3], $0x80, v4, vm0, $0xb8;
	[tilespmem:$0x18200] =	vst v63  }
0x214: {  	s20 =	simm.s32 $0x9200;
	v3 =	vadd.s32 v1, v3  }
0x215: {  	[tilespmem:s20], [sflag:$0x1] =	stream.indirect_vreg.gather [hbm4b:s6+s3], $0x80, v4, vm0, $0xb8;
	[tilespmem:$0x18200] =	vst v63  }
0x216: {  	s24 =	simm.s32 $0x9A00  }
0x217: {  	[tilespmem:s24], [sflag:$0x1] =	stream.indirect_vreg.gather [hbm4b:s7+s3], $0x80, v4, vm0, $0xb8;
	[tilespmem:$0x18200] =	vst v63  }
0x218: {  	s25 =	simm.s32 $0xA200  }
0x219: {  	[tilespmem:s25], [sflag:$0x1] =	stream.indirect_vreg.gather [hbm4b:s2+s3], $0x80, v3, vm0, $0xb8;
	[tilespmem:$0x18200] =	vst v63  }
0x21a: {  	s1 =	simm.s32 $0xAA00  }
0x21b: {  	[tilespmem:s1], [sflag:$0x1] =	stream.indirect_vreg.gather [hbm4b:s5+s3], $0x80, v3, vm0, $0xb8;
	[tilespmem:$0x18200] =	vst v63  }
0x21c: {  	s4 =	simm.s32 $0xB200  }
0x21d: {  	[tilespmem:s4], [sflag:$0x1] =	stream.indirect_vreg.gather [hbm4b:s6+s3], $0x80, v3, vm0, $0xb8;
	[tilespmem:$0x18200] =	vst v63  }
0x21e: {  	s11 =	simm.s32 $0xBA00  }
0x21f: {  	[tilespmem:s11], [sflag:$0x1] =	stream.indirect_vreg.gather [hbm4b:s7+s3], $0x80, v3, vm0, $0xb8;
	[tilespmem:$0x18200] =	vst v63  }
0x220: {  	v3 =	vld [tilespmem:$0x150];
	_ =	sdelay $0x4  }
0x221: {  	v53 =	vshll.u32 v3, $0x3  }
0x222: {  	v3 =	vand.u32 $0x7, v3;
	v4 =	vand.u32 $0xFFFFFFC0, v53  }
0x223: {  	v3 =	vor.u32 v3, v4  }
0x224: {  	v4 =	vperm.xlane v3, v0;
	_ =	sdelay $0x1  }
0x225: {  	v4 =	vadd.s32 v1, v4;
	_ =	sdelay $0x3  }
0x226: {  	s12 =	simm.s32 $0xC200  }
0x227: {  	[tilespmem:s12], [sflag:$0x1] =	stream.indirect_vreg.gather [hbm4b:s2+s3], $0x80, v4, vm0, $0xb8;
	[tilespmem:$0x18200] =	vst v63  }
0x228: {  	s13 =	simm.s32 $0xCA00;
	v3 =	vperm.xlane v3, v2  }
0x229: {  	[tilespmem:s13], [sflag:$0x1] =	stream.indirect_vreg.gather [hbm4b:s5+s3], $0x80, v4, vm0, $0xb8;
	[tilespmem:$0x18200] =	vst v63  }
0x22a: {  	s14 =	simm.s32 $0xD200;
	v3 =	vadd.s32 v1, v3  }
0x22b: {  	[tilespmem:s14], [sflag:$0x1] =	stream.indirect_vreg.gather [hbm4b:s6+s3], $0x80, v4, vm0, $0xb8;
	[tilespmem:$0x18200] =	vst v63  }
0x22c: {  	s15 =	simm.s32 $0xDA00  }
0x22d: {  	[tilespmem:s15], [sflag:$0x1] =	stream.indirect_vreg.gather [hbm4b:s7+s3], $0x80, v4, vm0, $0xb8;
	[tilespmem:$0x18200] =	vst v63  }
0x22e: {  	s16 =	simm.s32 $0xE200  }
0x22f: {  	[tilespmem:s16], [sflag:$0x1] =	stream.indirect_vreg.gather [hbm4b:s2+s3], $0x80, v3, vm0, $0xb8;
	[tilespmem:$0x18200] =	vst v63  }
0x230: {  	s17 =	simm.s32 $0xEA00  }
0x231: {  	[tilespmem:s17], [sflag:$0x1] =	stream.indirect_vreg.gather [hbm4b:s5+s3], $0x80, v3, vm0, $0xb8;
	[tilespmem:$0x18200] =	vst v63  }
0x232: {  	s18 =	simm.s32 $0xF200  }
0x233: {  	[tilespmem:s18], [sflag:$0x1] =	stream.indirect_vreg.gather [hbm4b:s6+s3], $0x80, v3, vm0, $0xb8;
	[tilespmem:$0x18200] =	vst v63  }
0x234: {  	s19 =	simm.s32 $0xFA00  }
0x235: {  	[tilespmem:s19], [sflag:$0x1] =	stream.indirect_vreg.gather [hbm4b:s7+s3], $0x80, v3, vm0, $0xb8;
	[tilespmem:$0x18200] =	vst v63  }
0x236: {  	_ =	swait.ge [sflag:s29], $0x8000  }
0x237: {  	[sflag:s29] =	ssyncset.done $0x0  }
0x238: {  	s20 =	rddreg [dreg:$0xd];
	[sflag:s29] =	ssyncadd.s32 $0xFFFF8000  }
0x239: {  	[hbm4b:s20+s3] =	stream.linear.scatter [tilespmem:s9], [sflag:$0x2], $0x8000, $0x38;
	[tilespmem:$0x18200] =	vst v63  }
0x23a: {  	_ =	swait.ge [sflag:s30], $0x8000  }
0x23b: {  	[sflag:s30] =	ssyncset.done $0x0  }
0x23c: {  	[sflag:s30] =	ssyncadd.s32 $0xFFFF8000  }
0x23d: {  	v3 =	vld [tilespmem:$0x160];
	_ =	sdelay $0x4  }
0x23e: {  	v54 =	vshll.u32 v3, $0x3  }
0x23f: {  	v3 =	vand.u32 $0x7, v3;
	v4 =	vand.u32 $0xFFFFFFC0, v54  }
0x240: {  	v3 =	vor.u32 v3, v4  }
0x241: {  	v4 =	vperm.xlane v3, v0;
	_ =	sdelay $0x1  }
0x242: {  	v4 =	vadd.s32 v1, v4;
	_ =	sdelay $0x4  }
0x243: {  	[tilespmem:s21], [sflag:$0x1] =	stream.indirect_vreg.gather [hbm4b:s2+s3], $0x80, v4, vm0, $0xb8;
	[tilespmem:$0x18200] =	vst v63  }
0x244: {  	s24 =	simm.s32 $0x10A00;
	v3 =	vperm.xlane v3, v2  }
0x245: {  	[tilespmem:s24], [sflag:$0x1] =	stream.indirect_vreg.gather [hbm4b:s5+s3], $0x80, v4, vm0, $0xb8;
	[tilespmem:$0x18200] =	vst v63  }
0x246: {  	s22 =	simm.s32 $0x11200;
	v3 =	vadd.s32 v1, v3  }
0x247: {  	[tilespmem:s22], [sflag:$0x1] =	stream.indirect_vreg.gather [hbm4b:s6+s3], $0x80, v4, vm0, $0xb8;
	[tilespmem:$0x18200] =	vst v63  }
0x248: {  	s23 =	simm.s32 $0x11A00  }
0x249: {  	[tilespmem:s23], [sflag:$0x1] =	stream.indirect_vreg.gather [hbm4b:s7+s3], $0x80, v4, vm0, $0xb8;
	[tilespmem:$0x18200] =	vst v63  }
0x24a: {  	s26 =	simm.s32 $0x12200  }
0x24b: {  	[tilespmem:s26], [sflag:$0x1] =	stream.indirect_vreg.gather [hbm4b:s2+s3], $0x80, v3, vm0, $0xb8;
	[tilespmem:$0x18200] =	vst v63  }
0x24c: {  	s28 =	simm.s32 $0x12A00  }
0x24d: {  	[tilespmem:s28], [sflag:$0x1] =	stream.indirect_vreg.gather [hbm4b:s5+s3], $0x80, v3, vm0, $0xb8;
	[tilespmem:$0x18200] =	vst v63  }
0x24e: {  	s31 =	simm.s32 $0x13200  }
0x24f: {  	[tilespmem:s31], [sflag:$0x1] =	stream.indirect_vreg.gather [hbm4b:s6+s3], $0x80, v3, vm0, $0xb8;
	[tilespmem:$0x18200] =	vst v63  }
0x250: {  	s25 =	simm.s32 $0x13A00  }
0x251: {  	[tilespmem:s25], [sflag:$0x1] =	stream.indirect_vreg.gather [hbm4b:s7+s3], $0x80, v3, vm0, $0xb8;
	[tilespmem:$0x18200] =	vst v63  }
0x252: {  	v3 =	vld [tilespmem:$0x170];
	_ =	sdelay $0x4  }
0x253: {  	v55 =	vshll.u32 v3, $0x3  }
0x254: {  	v3 =	vand.u32 $0x7, v3;
	v4 =	vand.u32 $0xFFFFFFC0, v55  }
0x255: {  	v3 =	vor.u32 v3, v4  }
0x256: {  	v4 =	vperm.xlane v3, v0;
	_ =	sdelay $0x1  }
0x257: {  	v4 =	vadd.s32 v1, v4;
	_ =	sdelay $0x3  }
0x258: {  	s28 =	simm.s32 $0x14200  }
0x259: {  	[tilespmem:s28], [sflag:$0x1] =	stream.indirect_vreg.gather [hbm4b:s2+s3], $0x80, v4, vm0, $0xb8;
	[tilespmem:$0x18200] =	vst v63  }
0x25a: {  	s31 =	simm.s32 $0x14A00;
	v3 =	vperm.xlane v3, v2  }
0x25b: {  	[tilespmem:s31], [sflag:$0x1] =	stream.indirect_vreg.gather [hbm4b:s5+s3], $0x80, v4, vm0, $0xb8;
	[tilespmem:$0x18200] =	vst v63  }
0x25c: {  	s1 =	simm.s32 $0x15200;
	v3 =	vadd.s32 v1, v3  }
0x25d: {  	[tilespmem:s1], [sflag:$0x1] =	stream.indirect_vreg.gather [hbm4b:s6+s3], $0x80, v4, vm0, $0xb8;
	[tilespmem:$0x18200] =	vst v63  }
0x25e: {  	s4 =	simm.s32 $0x15A00  }
0x25f: {  	[tilespmem:s4], [sflag:$0x1] =	stream.indirect_vreg.gather [hbm4b:s7+s3], $0x80, v4, vm0, $0xb8;
	[tilespmem:$0x18200] =	vst v63  }
0x260: {  	s11 =	simm.s32 $0x16200  }
0x261: {  	[tilespmem:s11], [sflag:$0x1] =	stream.indirect_vreg.gather [hbm4b:s2+s3], $0x80, v3, vm0, $0xb8;
	[tilespmem:$0x18200] =	vst v63  }
0x262: {  	s16 =	simm.s32 $0x16A00  }
0x263: {  	[tilespmem:s16], [sflag:$0x1] =	stream.indirect_vreg.gather [hbm4b:s5+s3], $0x80, v3, vm0, $0xb8;
	[tilespmem:$0x18200] =	vst v63  }
0x264: {  	s17 =	simm.s32 $0x17200  }
0x265: {  	[tilespmem:s17], [sflag:$0x1] =	stream.indirect_vreg.gather [hbm4b:s6+s3], $0x80, v3, vm0, $0xb8;
	[tilespmem:$0x18200] =	vst v63  }
0x266: {  	s18 =	simm.s32 $0x17A00  }
0x267: {  	[tilespmem:s18], [sflag:$0x1] =	stream.indirect_vreg.gather [hbm4b:s7+s3], $0x80, v3, vm0, $0xb8;
	[tilespmem:$0x18200] =	vst v63  }
0x268: {  	_ =	swait.ge [sflag:s29], $0x8000  }
0x269: {  	[sflag:s29] =	ssyncset.done $0x0  }
0x26a: {  	s24 =	rddreg [dreg:$0xe];
	[sflag:s29] =	ssyncadd.s32 $0xFFFF8000  }
0x26b: {  	[hbm4b:s24+s3] =	stream.linear.scatter [tilespmem:s10], [sflag:$0x2], $0x8000, $0x38;
	[tilespmem:$0x18200] =	vst v63  }
0x26c: {  	_ =	swait.ge [sflag:s30], $0x8000  }
0x26d: {  	[sflag:s30] =	ssyncset.done $0x0  }
0x26e: {  	[sflag:s30] =	ssyncadd.s32 $0xFFFF8000  }
0x26f: {  	v3 =	vld [tilespmem:$0x180];
	_ =	sdelay $0x4  }
0x270: {  	v56 =	vshll.u32 v3, $0x3  }
0x271: {  	v3 =	vand.u32 $0x7, v3;
	v4 =	vand.u32 $0xFFFFFFC0, v56  }
0x272: {  	v3 =	vor.u32 v3, v4  }
0x273: {  	v4 =	vperm.xlane v3, v0;
	_ =	sdelay $0x1  }
0x274: {  	v4 =	vadd.s32 v1, v4;
	_ =	sdelay $0x4  }
0x275: {  	[tilespmem:s9], [sflag:$0x1] =	stream.indirect_vreg.gather [hbm4b:s2+s3], $0x80, v4, vm0, $0xb8;
	[tilespmem:$0x18200] =	vst v63  }
0x276: {  	s25 =	simm.s32 $0xA00;
	v3 =	vperm.xlane v3, v2  }
0x277: {  	[tilespmem:s25], [sflag:$0x1] =	stream.indirect_vreg.gather [hbm4b:s5+s3], $0x80, v4, vm0, $0xb8;
	[tilespmem:$0x18200] =	vst v63  }
0x278: {  	s17 =	simm.s32 $0x1200;
	v3 =	vadd.s32 v1, v3  }
0x279: {  	[tilespmem:s17], [sflag:$0x1] =	stream.indirect_vreg.gather [hbm4b:s6+s3], $0x80, v4, vm0, $0xb8;
	[tilespmem:$0x18200] =	vst v63  }
0x27a: {  	s18 =	simm.s32 $0x1A00  }
0x27b: {  	[tilespmem:s18], [sflag:$0x1] =	stream.indirect_vreg.gather [hbm4b:s7+s3], $0x80, v4, vm0, $0xb8;
	[tilespmem:$0x18200] =	vst v63  }
0x27c: {  	s24 =	simm.s32 $0x2200  }
0x27d: {  	[tilespmem:s24], [sflag:$0x1] =	stream.indirect_vreg.gather [hbm4b:s2+s3], $0x80, v3, vm0, $0xb8;
	[tilespmem:$0x18200] =	vst v63  }
0x27e: {  	s25 =	simm.s32 $0x2A00  }
0x27f: {  	[tilespmem:s25], [sflag:$0x1] =	stream.indirect_vreg.gather [hbm4b:s5+s3], $0x80, v3, vm0, $0xb8;
	[tilespmem:$0x18200] =	vst v63  }
0x280: {  	s0 =	simm.s32 $0x3200  }
0x281: {  	[tilespmem:s0], [sflag:$0x1] =	stream.indirect_vreg.gather [hbm4b:s6+s3], $0x80, v3, vm0, $0xb8;
	[tilespmem:$0x18200] =	vst v63  }
0x282: {  	s0 =	simm.s32 $0x3A00  }
0x283: {  	[tilespmem:s0], [sflag:$0x1] =	stream.indirect_vreg.gather [hbm4b:s7+s3], $0x80, v3, vm0, $0xb8;
	[tilespmem:$0x18200] =	vst v63  }
0x284: {  	v3 =	vld [tilespmem:$0x190];
	_ =	sdelay $0x4  }
0x285: {  	v57 =	vshll.u32 v3, $0x3  }
0x286: {  	v3 =	vand.u32 $0x7, v3;
	v4 =	vand.u32 $0xFFFFFFC0, v57  }
0x287: {  	v3 =	vor.u32 v3, v4  }
0x288: {  	v4 =	vperm.xlane v3, v0;
	_ =	sdelay $0x1  }
0x289: {  	v4 =	vadd.s32 v1, v4;
	_ =	sdelay $0x3  }
0x28a: {  	s0 =	simm.s32 $0x4200  }
0x28b: {  	[tilespmem:s0], [sflag:$0x1] =	stream.indirect_vreg.gather [hbm4b:s2+s3], $0x80, v4, vm0, $0xb8;
	[tilespmem:$0x18200] =	vst v63  }
0x28c: {  	v3 =	vperm.xlane v3, v2;
	s0 =	simm.s32 $0x4A00  }
0x28d: {  	[tilespmem:s0], [sflag:$0x1] =	stream.indirect_vreg.gather [hbm4b:s5+s3], $0x80, v4, vm0, $0xb8;
	[tilespmem:$0x18200] =	vst v63  }
0x28e: {  	v3 =	vadd.s32 v1, v3;
	s0 =	simm.s32 $0x5200  }
0x28f: {  	[tilespmem:s0], [sflag:$0x1] =	stream.indirect_vreg.gather [hbm4b:s6+s3], $0x80, v4, vm0, $0xb8;
	[tilespmem:$0x18200] =	vst v63  }
0x290: {  	s0 =	simm.s32 $0x5A00  }
0x291: {  	[tilespmem:s0], [sflag:$0x1] =	stream.indirect_vreg.gather [hbm4b:s7+s3], $0x80, v4, vm0, $0xb8;
	[tilespmem:$0x18200] =	vst v63  }
0x292: {  	s0 =	simm.s32 $0x6200  }
0x293: {  	[tilespmem:s0], [sflag:$0x1] =	stream.indirect_vreg.gather [hbm4b:s2+s3], $0x80, v3, vm0, $0xb8;
	[tilespmem:$0x18200] =	vst v63  }
0x294: {  	s0 =	simm.s32 $0x6A00  }
0x295: {  	[tilespmem:s0], [sflag:$0x1] =	stream.indirect_vreg.gather [hbm4b:s5+s3], $0x80, v3, vm0, $0xb8;
	[tilespmem:$0x18200] =	vst v63  }
0x296: {  	s0 =	simm.s32 $0x7200  }
0x297: {  	[tilespmem:s0], [sflag:$0x1] =	stream.indirect_vreg.gather [hbm4b:s6+s3], $0x80, v3, vm0, $0xb8;
	[tilespmem:$0x18200] =	vst v63  }
0x298: {  	s0 =	simm.s32 $0x7A00  }
0x299: {  	[tilespmem:s0], [sflag:$0x1] =	stream.indirect_vreg.gather [hbm4b:s7+s3], $0x80, v3, vm0, $0xb8;
	[tilespmem:$0x18200] =	vst v63  }
0x29a: {  	_ =	swait.ge [sflag:s29], $0x8000  }
0x29b: {  	[sflag:s29] =	ssyncset.done $0x0  }
0x29c: {  	s0 =	rddreg [dreg:$0xf];
	[sflag:s29] =	ssyncadd.s32 $0xFFFF8000  }
0x29d: {  	[hbm4b:s0+s3] =	stream.linear.scatter [tilespmem:s21], [sflag:$0x2], $0x8000, $0x38;
	[tilespmem:$0x18200] =	vst v63  }
0x29e: {  	_ =	swait.ge [sflag:s30], $0x8000  }
0x29f: {  	[sflag:s30] =	ssyncset.done $0x0  }
0x2a0: {  	[sflag:s30] =	ssyncadd.s32 $0xFFFF8000  }
0x2a1: {  	v3 =	vld [tilespmem:$0x1A0];
	_ =	sdelay $0x4  }
0x2a2: {  	v58 =	vshll.u32 v3, $0x3  }
0x2a3: {  	v3 =	vand.u32 $0x7, v3;
	v4 =	vand.u32 $0xFFFFFFC0, v58  }
0x2a4: {  	v3 =	vor.u32 v3, v4  }
0x2a5: {  	v4 =	vperm.xlane v3, v0;
	_ =	sdelay $0x1  }
0x2a6: {  	v4 =	vadd.s32 v1, v4;
	_ =	sdelay $0x4  }
0x2a7: {  	[tilespmem:s10], [sflag:$0x1] =	stream.indirect_vreg.gather [hbm4b:s2+s3], $0x80, v4, vm0, $0xb8;
	[tilespmem:$0x18200] =	vst v63  }
0x2a8: {  	s0 =	simm.s32 $0x8A00;
	v3 =	vperm.xlane v3, v2  }
0x2a9: {  	[tilespmem:s0], [sflag:$0x1] =	stream.indirect_vreg.gather [hbm4b:s5+s3], $0x80, v4, vm0, $0xb8;
	[tilespmem:$0x18200] =	vst v63  }
0x2aa: {  	v3 =	vadd.s32 v1, v3;
	s0 =	simm.s32 $0x9200  }
0x2ab: {  	[tilespmem:s0], [sflag:$0x1] =	stream.indirect_vreg.gather [hbm4b:s6+s3], $0x80, v4, vm0, $0xb8;
	[tilespmem:$0x18200] =	vst v63  }
0x2ac: {  	s0 =	simm.s32 $0x9A00  }
0x2ad: {  	[tilespmem:s0], [sflag:$0x1] =	stream.indirect_vreg.gather [hbm4b:s7+s3], $0x80, v4, vm0, $0xb8;
	[tilespmem:$0x18200] =	vst v63  }
0x2ae: {  	s0 =	simm.s32 $0xA200  }
0x2af: {  	[tilespmem:s0], [sflag:$0x1] =	stream.indirect_vreg.gather [hbm4b:s2+s3], $0x80, v3, vm0, $0xb8;
	[tilespmem:$0x18200] =	vst v63  }
0x2b0: {  	s0 =	simm.s32 $0xAA00  }
0x2b1: {  	[tilespmem:s0], [sflag:$0x1] =	stream.indirect_vreg.gather [hbm4b:s5+s3], $0x80, v3, vm0, $0xb8;
	[tilespmem:$0x18200] =	vst v63  }
0x2b2: {  	s0 =	simm.s32 $0xB200  }
0x2b3: {  	[tilespmem:s0], [sflag:$0x1] =	stream.indirect_vreg.gather [hbm4b:s6+s3], $0x80, v3, vm0, $0xb8;
	[tilespmem:$0x18200] =	vst v63  }
0x2b4: {  	s0 =	simm.s32 $0xBA00  }
0x2b5: {  	[tilespmem:s0], [sflag:$0x1] =	stream.indirect_vreg.gather [hbm4b:s7+s3], $0x80, v3, vm0, $0xb8;
	[tilespmem:$0x18200] =	vst v63  }
0x2b6: {  	v3 =	vld [tilespmem:$0x1B0];
	_ =	sdelay $0x4  }
0x2b7: {  	v59 =	vshll.u32 v3, $0x3  }
0x2b8: {  	v3 =	vand.u32 $0x7, v3;
	v4 =	vand.u32 $0xFFFFFFC0, v59  }
0x2b9: {  	v3 =	vor.u32 v3, v4  }
0x2ba: {  	v4 =	vperm.xlane v3, v0;
	_ =	sdelay $0x1  }
0x2bb: {  	v4 =	vadd.s32 v1, v4;
	_ =	sdelay $0x3  }
0x2bc: {  	s0 =	simm.s32 $0xC200  }
0x2bd: {  	[tilespmem:s0], [sflag:$0x1] =	stream.indirect_vreg.gather [hbm4b:s2+s3], $0x80, v4, vm0, $0xb8;
	[tilespmem:$0x18200] =	vst v63  }
0x2be: {  	v3 =	vperm.xlane v3, v2;
	s0 =	simm.s32 $0xCA00  }
0x2bf: {  	[tilespmem:s0], [sflag:$0x1] =	stream.indirect_vreg.gather [hbm4b:s5+s3], $0x80, v4, vm0, $0xb8;
	[tilespmem:$0x18200] =	vst v63  }
0x2c0: {  	v3 =	vadd.s32 v1, v3;
	s0 =	simm.s32 $0xD200  }
0x2c1: {  	[tilespmem:s0], [sflag:$0x1] =	stream.indirect_vreg.gather [hbm4b:s6+s3], $0x80, v4, vm0, $0xb8;
	[tilespmem:$0x18200] =	vst v63  }
0x2c2: {  	s0 =	simm.s32 $0xDA00  }
0x2c3: {  	[tilespmem:s0], [sflag:$0x1] =	stream.indirect_vreg.gather [hbm4b:s7+s3], $0x80, v4, vm0, $0xb8;
	[tilespmem:$0x18200] =	vst v63  }
0x2c4: {  	s0 =	simm.s32 $0xE200  }
0x2c5: {  	[tilespmem:s0], [sflag:$0x1] =	stream.indirect_vreg.gather [hbm4b:s2+s3], $0x80, v3, vm0, $0xb8;
	[tilespmem:$0x18200] =	vst v63  }
0x2c6: {  	s0 =	simm.s32 $0xEA00  }
0x2c7: {  	[tilespmem:s0], [sflag:$0x1] =	stream.indirect_vreg.gather [hbm4b:s5+s3], $0x80, v3, vm0, $0xb8;
	[tilespmem:$0x18200] =	vst v63  }
0x2c8: {  	s0 =	simm.s32 $0xF200  }
0x2c9: {  	[tilespmem:s0], [sflag:$0x1] =	stream.indirect_vreg.gather [hbm4b:s6+s3], $0x80, v3, vm0, $0xb8;
	[tilespmem:$0x18200] =	vst v63  }
0x2ca: {  	s0 =	simm.s32 $0xFA00  }
0x2cb: {  	[tilespmem:s0], [sflag:$0x1] =	stream.indirect_vreg.gather [hbm4b:s7+s3], $0x80, v3, vm0, $0xb8;
	[tilespmem:$0x18200] =	vst v63  }
0x2cc: {  	_ =	swait.ge [sflag:s29], $0x8000  }
0x2cd: {  	[sflag:s29] =	ssyncset.done $0x0  }
0x2ce: {  	s0 =	rddreg [dreg:$0x10];
	[sflag:s29] =	ssyncadd.s32 $0xFFFF8000  }
0x2cf: {  	[hbm4b:s0+s3] =	stream.linear.scatter [tilespmem:s9], [sflag:$0x2], $0x8000, $0x38;
	[tilespmem:$0x18200] =	vst v63  }
0x2d0: {  	_ =	swait.ge [sflag:s30], $0x8000  }
0x2d1: {  	[sflag:s30] =	ssyncset.done $0x0  }
0x2d2: {  	[sflag:s30] =	ssyncadd.s32 $0xFFFF8000  }
0x2d3: {  	v3 =	vld [tilespmem:$0x1C0];
	_ =	sdelay $0x4  }
0x2d4: {  	v60 =	vshll.u32 v3, $0x3  }
0x2d5: {  	v3 =	vand.u32 $0x7, v3;
	v4 =	vand.u32 $0xFFFFFFC0, v60  }
0x2d6: {  	v3 =	vor.u32 v3, v4  }
0x2d7: {  	v4 =	vperm.xlane v3, v0;
	_ =	sdelay $0x1  }
0x2d8: {  	v4 =	vadd.s32 v1, v4;
	_ =	sdelay $0x4  }
0x2d9: {  	[tilespmem:s21], [sflag:$0x1] =	stream.indirect_vreg.gather [hbm4b:s2+s3], $0x80, v4, vm0, $0xb8;
	[tilespmem:$0x18200] =	vst v63  }
0x2da: {  	s12 =	simm.s32 $0x10A00;
	v3 =	vperm.xlane v3, v2  }
0x2db: {  	[tilespmem:s12], [sflag:$0x1] =	stream.indirect_vreg.gather [hbm4b:s5+s3], $0x80, v4, vm0, $0xb8;
	[tilespmem:$0x18200] =	vst v63  }
0x2dc: {  	s19 =	simm.s32 $0x11200;
	v3 =	vadd.s32 v1, v3  }
0x2dd: {  	[tilespmem:s19], [sflag:$0x1] =	stream.indirect_vreg.gather [hbm4b:s6+s3], $0x80, v4, vm0, $0xb8;
	[tilespmem:$0x18200] =	vst v63  }
0x2de: {  	s20 =	simm.s32 $0x11A00  }
0x2df: {  	[tilespmem:s20], [sflag:$0x1] =	stream.indirect_vreg.gather [hbm4b:s7+s3], $0x80, v4, vm0, $0xb8;
	[tilespmem:$0x18200] =	vst v63  }
0x2e0: {  	s22 =	simm.s32 $0x12200  }
0x2e1: {  	[tilespmem:s22], [sflag:$0x1] =	stream.indirect_vreg.gather [hbm4b:s2+s3], $0x80, v3, vm0, $0xb8;
	[tilespmem:$0x18200] =	vst v63  }
0x2e2: {  	s23 =	simm.s32 $0x12A00  }
0x2e3: {  	[tilespmem:s23], [sflag:$0x1] =	stream.indirect_vreg.gather [hbm4b:s5+s3], $0x80, v3, vm0, $0xb8;
	[tilespmem:$0x18200] =	vst v63  }
0x2e4: {  	s26 =	simm.s32 $0x13200  }
0x2e5: {  	[tilespmem:s26], [sflag:$0x1] =	stream.indirect_vreg.gather [hbm4b:s6+s3], $0x80, v3, vm0, $0xb8;
	[tilespmem:$0x18200] =	vst v63  }
0x2e6: {  	s13 =	simm.s32 $0x13A00  }
0x2e7: {  	[tilespmem:s13], [sflag:$0x1] =	stream.indirect_vreg.gather [hbm4b:s7+s3], $0x80, v3, vm0, $0xb8;
	[tilespmem:$0x18200] =	vst v63  }
0x2e8: {  	v3 =	vld [tilespmem:$0x1D0];
	_ =	sdelay $0x4  }
0x2e9: {  	v61 =	vshll.u32 v3, $0x3  }
0x2ea: {  	v3 =	vand.u32 $0x7, v3;
	v4 =	vand.u32 $0xFFFFFFC0, v61  }
0x2eb: {  	v3 =	vor.u32 v3, v4  }
0x2ec: {  	v4 =	vperm.xlane v3, v0;
	_ =	sdelay $0x1  }
0x2ed: {  	v4 =	vadd.s32 v1, v4;
	_ =	sdelay $0x3  }
0x2ee: {  	s14 =	simm.s32 $0x14200  }
0x2ef: {  	[tilespmem:s14], [sflag:$0x1] =	stream.indirect_vreg.gather [hbm4b:s2+s3], $0x80, v4, vm0, $0xb8;
	[tilespmem:$0x18200] =	vst v63  }
0x2f0: {  	s15 =	simm.s32 $0x14A00;
	v3 =	vperm.xlane v3, v2  }
0x2f1: {  	[tilespmem:s15], [sflag:$0x1] =	stream.indirect_vreg.gather [hbm4b:s5+s3], $0x80, v4, vm0, $0xb8;
	[tilespmem:$0x18200] =	vst v63  }
0x2f2: {  	s28 =	simm.s32 $0x15200;
	v3 =	vadd.s32 v1, v3  }
0x2f3: {  	[tilespmem:s28], [sflag:$0x1] =	stream.indirect_vreg.gather [hbm4b:s6+s3], $0x80, v4, vm0, $0xb8;
	[tilespmem:$0x18200] =	vst v63  }
0x2f4: {  	s31 =	simm.s32 $0x15A00  }
0x2f5: {  	[tilespmem:s31], [sflag:$0x1] =	stream.indirect_vreg.gather [hbm4b:s7+s3], $0x80, v4, vm0, $0xb8;
	[tilespmem:$0x18200] =	vst v63  }
0x2f6: {  	s1 =	simm.s32 $0x16200  }
0x2f7: {  	[tilespmem:s1], [sflag:$0x1] =	stream.indirect_vreg.gather [hbm4b:s2+s3], $0x80, v3, vm0, $0xb8;
	[tilespmem:$0x18200] =	vst v63  }
0x2f8: {  	s4 =	simm.s32 $0x16A00  }
0x2f9: {  	[tilespmem:s4], [sflag:$0x1] =	stream.indirect_vreg.gather [hbm4b:s5+s3], $0x80, v3, vm0, $0xb8;
	[tilespmem:$0x18200] =	vst v63  }
0x2fa: {  	s11 =	simm.s32 $0x17200  }
0x2fb: {  	[tilespmem:s11], [sflag:$0x1] =	stream.indirect_vreg.gather [hbm4b:s6+s3], $0x80, v3, vm0, $0xb8;
	[tilespmem:$0x18200] =	vst v63  }
0x2fc: {  	s16 =	simm.s32 $0x17A00  }
0x2fd: {  	[tilespmem:s16], [sflag:$0x1] =	stream.indirect_vreg.gather [hbm4b:s7+s3], $0x80, v3, vm0, $0xb8;
	[tilespmem:$0x18200] =	vst v63  }
0x2fe: {  	_ =	swait.ge [sflag:s29], $0x8000  }
0x2ff: {  	[sflag:s29] =	ssyncset.done $0x0  }
0x300: {  	s14 =	rddreg [dreg:$0x11];
	[sflag:s29] =	ssyncadd.s32 $0xFFFF8000  }
0x301: {  	[hbm4b:s14+s3] =	stream.linear.scatter [tilespmem:s10], [sflag:$0x2], $0x8000, $0x38;
	[tilespmem:$0x18200] =	vst v63  }
0x302: {  	_ =	swait.ge [sflag:s30], $0x8000  }
0x303: {  	[sflag:s30] =	ssyncset.done $0x0  }
0x304: {  	[sflag:s30] =	ssyncadd.s32 $0xFFFF8000  }
0x305: {  	v3 =	vld [tilespmem:$0x1E0];
	_ =	sdelay $0x4  }
0x306: {  	v62 =	vshll.u32 v3, $0x3  }
0x307: {  	v3 =	vand.u32 $0x7, v3;
	v4 =	vand.u32 $0xFFFFFFC0, v62  }
0x308: {  	v3 =	vor.u32 v3, v4  }
0x309: {  	v4 =	vperm.xlane v3, v0;
	_ =	sdelay $0x1  }
0x30a: {  	v4 =	vadd.s32 v1, v4;
	_ =	sdelay $0x4  }
0x30b: {  	[tilespmem:s9], [sflag:$0x1] =	stream.indirect_vreg.gather [hbm4b:s2+s3], $0x80, v4, vm0, $0xb8;
	[tilespmem:$0x18200] =	vst v63  }
0x30c: {  	s15 =	simm.s32 $0xA00;
	v3 =	vperm.xlane v3, v2  }
0x30d: {  	[tilespmem:s15], [sflag:$0x1] =	stream.indirect_vreg.gather [hbm4b:s5+s3], $0x80, v4, vm0, $0xb8;
	[tilespmem:$0x18200] =	vst v63  }
0x30e: {  	s17 =	simm.s32 $0x1200;
	v3 =	vadd.s32 v1, v3  }
0x30f: {  	[tilespmem:s17], [sflag:$0x1] =	stream.indirect_vreg.gather [hbm4b:s6+s3], $0x80, v4, vm0, $0xb8;
	[tilespmem:$0x18200] =	vst v63  }
0x310: {  	s18 =	simm.s32 $0x1A00  }
0x311: {  	[tilespmem:s18], [sflag:$0x1] =	stream.indirect_vreg.gather [hbm4b:s7+s3], $0x80, v4, vm0, $0xb8;
	[tilespmem:$0x18200] =	vst v63  }
0x312: {  	s24 =	simm.s32 $0x2200  }
0x313: {  	[tilespmem:s24], [sflag:$0x1] =	stream.indirect_vreg.gather [hbm4b:s2+s3], $0x80, v3, vm0, $0xb8;
	[tilespmem:$0x18200] =	vst v63  }
0x314: {  	s25 =	simm.s32 $0x2A00  }
0x315: {  	[tilespmem:s25], [sflag:$0x1] =	stream.indirect_vreg.gather [hbm4b:s5+s3], $0x80, v3, vm0, $0xb8;
	[tilespmem:$0x18200] =	vst v63  }
0x316: {  	s16 =	simm.s32 $0x3200  }
0x317: {  	[tilespmem:s16], [sflag:$0x1] =	stream.indirect_vreg.gather [hbm4b:s6+s3], $0x80, v3, vm0, $0xb8;
	[tilespmem:$0x18200] =	vst v63  }
0x318: {  	s17 =	simm.s32 $0x3A00  }
0x319: {  	[tilespmem:s17], [sflag:$0x1] =	stream.indirect_vreg.gather [hbm4b:s7+s3], $0x80, v3, vm0, $0xb8;
	[tilespmem:$0x18200] =	vst v63  }
0x31a: {  	v3 =	vld [tilespmem:$0x1F0];
	_ =	sdelay $0x4  }
0x31b: {  	v63 =	vshll.u32 v3, $0x3  }
0x31c: {  	v3 =	vand.u32 $0x7, v3;
	v4 =	vand.u32 $0xFFFFFFC0, v63  }
0x31d: {  	v3 =	vor.u32 v3, v4  }
0x31e: {  	v4 =	vperm.xlane v3, v0;
	_ =	sdelay $0x1  }
0x31f: {  	v4 =	vadd.s32 v1, v4;
	_ =	sdelay $0x3  }
0x320: {  	s18 =	simm.s32 $0x4200  }
0x321: {  	[tilespmem:s18], [sflag:$0x1] =	stream.indirect_vreg.gather [hbm4b:s2+s3], $0x80, v4, vm0, $0xb8;
	[tilespmem:$0x18200] =	vst v63  }
0x322: {  	s19 =	simm.s32 $0x4A00;
	v3 =	vperm.xlane v3, v2  }
0x323: {  	[tilespmem:s19], [sflag:$0x1] =	stream.indirect_vreg.gather [hbm4b:s5+s3], $0x80, v4, vm0, $0xb8;
	[tilespmem:$0x18200] =	vst v63  }
0x324: {  	s20 =	simm.s32 $0x5200;
	v3 =	vadd.s32 v1, v3  }
0x325: {  	[tilespmem:s20], [sflag:$0x1] =	stream.indirect_vreg.gather [hbm4b:s6+s3], $0x80, v4, vm0, $0xb8;
	[tilespmem:$0x18200] =	vst v63  }
0x326: {  	s22 =	simm.s32 $0x5A00  }
0x327: {  	[tilespmem:s22], [sflag:$0x1] =	stream.indirect_vreg.gather [hbm4b:s7+s3], $0x80, v4, vm0, $0xb8;
	[tilespmem:$0x18200] =	vst v63  }
0x328: {  	s23 =	simm.s32 $0x6200  }
0x329: {  	[tilespmem:s23], [sflag:$0x1] =	stream.indirect_vreg.gather [hbm4b:s2+s3], $0x80, v3, vm0, $0xb8;
	[tilespmem:$0x18200] =	vst v63  }
0x32a: {  	s24 =	simm.s32 $0x6A00  }
0x32b: {  	[tilespmem:s24], [sflag:$0x1] =	stream.indirect_vreg.gather [hbm4b:s5+s3], $0x80, v3, vm0, $0xb8;
	[tilespmem:$0x18200] =	vst v63  }
0x32c: {  	s25 =	simm.s32 $0x7200  }
0x32d: {  	[tilespmem:s25], [sflag:$0x1] =	stream.indirect_vreg.gather [hbm4b:s6+s3], $0x80, v3, vm0, $0xb8;
	[tilespmem:$0x18200] =	vst v63  }
0x32e: {  	s26 =	simm.s32 $0x7A00  }
0x32f: {  	[tilespmem:s26], [sflag:$0x1] =	stream.indirect_vreg.gather [hbm4b:s7+s3], $0x80, v3, vm0, $0xb8;
	[tilespmem:$0x18200] =	vst v63  }
0x330: {  	_ =	swait.ge [sflag:s29], $0x8000  }
0x331: {  	[sflag:s29] =	ssyncset.done $0x0  }
0x332: {  	s28 =	rddreg [dreg:$0x12];
	[sflag:s29] =	ssyncadd.s32 $0xFFFF8000  }
0x333: {  	[hbm4b:s28+s3] =	stream.linear.scatter [tilespmem:s21], [sflag:$0x2], $0x8000, $0x38;
	[tilespmem:$0x18200] =	vst v63  }
0x334: {  	_ =	swait.ge [sflag:s29], $0x8000  }
0x335: {  	[sflag:s29] =	ssyncset.done $0x0  }
0x336: {  	s31 =	rddreg [dreg:$0x13];
	[sflag:s29] =	ssyncadd.s32 $0xFFFF8000  }
0x337: {  	[hbm4b:s31+s3] =	stream.linear.scatter [tilespmem:s9], [sflag:$0x2], $0x8000, $0x38;
	[tilespmem:$0x18200] =	vst v63  }
0x338: {  	_ =	swait.ge [sflag:s30], $0x8000  }
0x339: {  	[sflag:s30] =	ssyncset.done $0x0  }
0x33a: {  	[sflag:s30] =	ssyncadd.s32 $0xFFFF8000  }
0x33b: {  	p0 =	sne.s32 s8, $0x1;
	_ =	swait.ge [sflag:s30], $0x8000  }
.Ltmp0:
0x33c: {  	[sflag:s30] =	ssyncset.done $0x0;
	(pc) =	sbr.rel @p0 .LBB2_1-.Ltmp0, $4  }
0x33d: {  	[sflag:s30] =	ssyncadd.s32 $0xFFFF8000  }
0x33e: {  	_ =	swait.ge [sflag:s30], $0x8000  }
0x33f: {  	[sflag:s30] =	ssyncset.done $0x0  }
0x340: {  	s8 =	sadd.s32 $0xFFFFFFFF, s8;
	[sflag:s30] =	ssyncadd.s32 $0xFFFF8000  }
0x341: {  	_ =	sfence.sel $0x180000  }
0x342: {  	[bflag:$0x0] =	sbarrier.arrive $0xFFFF  }
0x343: {  	_ =	strace $0x90000047  }
0x344: {  	s0 =	stileid.u32;
	[bflag:$0x2] =	sbarrier.arrive $0xFFFF  }
0x345: {  	p0 =	sne.s32 s0, $0x0;
	s0 =	rddreg [dreg:$0x3]  }
0x346: {  	s0 =	sadd.s32 @!p0 $0x100000, s0  }
0x347: {  	[sflag:s0] =	ssyncadd.tile.s32 @!p0 $0x1;
	_ =	shalt  }
.Lfunc_end2:
_tile_overlayer_lowered:
.L_overlay_start_2:
0x348: {  	(tag) =	ssettag $0x2  }
0x349: {  	s0 =	rddreg [dreg:$0x0];
	s2 =	stileid.u32  }
0x34a: {  	s1 =	rddreg [dreg:$0x1];
	p0 =	sne.s32 s2, $0x0  }
0x34b: {  	s3 =	rddreg [dreg:$0x2];
	[bflag:$0x3] =	sbarrier.arrive $0xFFFF;
	s2 =	simm.s32 @!p0 $0x1C03  }
0x34c: {  	[timem:s3], [sflag:s2] =	dma.local @!p0 [hbm:s0], s1  }
0x34d: {  	s0 =	simm.s32 @!p0 $0x3  }
0x34e: {  	_ =	swait.ge @!p0 [sflag:s0], s1  }
0x34f: {  	s1 =	ssub.s32 @!p0 $0x0, s1;
	[sflag:s0] =	ssyncset.done @!p0 $0x0  }
0x350: {  	[sflag:s0] =	ssyncadd.s32 @!p0 s1  }
0x351: {  	[bflag:$0x3] =	sbarrier.arrive $0xFFFF  }
0x352: {  	_ =	shalt  }

</sc_bundles>
